<compile_context>
chip_gen: v7x
topology: tpu7x:2x2x1
jax: 0.10.2.dev20260603
libtpu: 0.0.44.dev20260713+nightly
codegen_flags: <defaults>
</compile_context>

<pallas_src>
import functools

import jax
import jax.numpy as jnp
from jax import lax
from jax.experimental import pallas as pl
from jax.experimental.pallas import tpu as pltpu
from jax.experimental.pallas import tpu_sc as plsc

N_NODES = 10000
N_EDGES = 320000
IN_DIM = 128
HIDDEN = 64

NC = 2
NS = 16
NW = NC * NS
EDGES_PER_TILE = N_EDGES // NW
CHUNK = 80
NCHUNKS = EDGES_PER_TILE // CHUNK
ACC_PAD = 10240
ROWS_PER_TILE = ACC_PAD // NS
ZROWS = 128

DEG_PAD = 10240
DEG_PER_TILE = DEG_PAD // NS

_mesh = plsc.VectorSubcoreMesh(core_axis_name="c", subcore_axis_name="s")


def _deg_body(dst_hbm, out_hbm, acc_sh, dst_v, ones_v, zero_v, sem):
    c = lax.axis_index("c")
    s = lax.axis_index("s")
    wid = c * NS + s

    def fill(i, _):
        zero_v[pl.ds(i * 16, 16)] = jnp.zeros((16,), jnp.float32)
        ones_v[pl.ds((i % 5) * 16, 16)] = jnp.ones((16,), jnp.float32)
        return 0

    lax.fori_loop(0, DEG_PER_TILE // 16, fill, 0)
    pltpu.sync_copy(zero_v, acc_sh.at[pl.ds(s * DEG_PER_TILE, DEG_PER_TILE)])
    plsc.subcore_barrier()

    base = wid * EDGES_PER_TILE

    def chunk(j, _):
        off = pl.multiple_of(base + j * CHUNK, 8)
        pltpu.sync_copy(dst_hbm.at[pl.ds(off, CHUNK)], dst_v)
        pltpu.sync_copy(ones_v, acc_sh.at[dst_v], add=True)
        return 0

    lax.fori_loop(0, NCHUNKS, chunk, 0)
    plsc.subcore_barrier()
    sl = pl.ds(s * DEG_PER_TILE, DEG_PER_TILE)
    pltpu.sync_copy(acc_sh.at[sl], out_hbm.at[c, sl])


_deg_call = pl.kernel(
    _deg_body,
    out_type=jax.ShapeDtypeStruct((NC, DEG_PAD), jnp.float32),
    mesh=_mesh,
    compiler_params=pltpu.CompilerParams(use_tc_tiling_on_sc=False),
    scratch_types=[
        pltpu.VMEM_SHARED((DEG_PAD,), jnp.float32),
        pltpu.VMEM((CHUNK,), jnp.int32),
        pltpu.VMEM((CHUNK,), jnp.float32),
        pltpu.VMEM((DEG_PER_TILE,), jnp.float32),
        pltpu.SemaphoreType.DMA,
    ],
)


def _agg_body(h_hbm, src_hbm, dst_hbm, out_hbm,
              acc_sh, src_v, dst_v, rows_v, zero_v, sem):
    c = lax.axis_index("c")
    s = lax.axis_index("s")
    wid = c * NS + s

    def fill(t, _):
        zero_v[t // 4, pl.ds((t % 4) * 16, 16)] = jnp.zeros((16,), jnp.float32)
        return 0

    lax.fori_loop(0, ZROWS * 4, fill, 0)
    for q in range(ROWS_PER_TILE // ZROWS):
        pltpu.sync_copy(
            zero_v, acc_sh.at[pl.ds(s * ROWS_PER_TILE + q * ZROWS, ZROWS)])
    plsc.subcore_barrier()

    base = wid * EDGES_PER_TILE

    def chunk(j, _):
        off = pl.multiple_of(base + j * CHUNK, 8)
        pltpu.sync_copy(src_hbm.at[pl.ds(off, CHUNK)], src_v)
        pltpu.sync_copy(dst_hbm.at[pl.ds(off, CHUNK)], dst_v)
        pltpu.async_copy(h_hbm.at[src_v], rows_v, sem).wait()
        pltpu.sync_copy(rows_v, acc_sh.at[dst_v], add=True)
        return 0

    lax.fori_loop(0, NCHUNKS, chunk, 0)
    plsc.subcore_barrier()
    sl = pl.ds(s * ROWS_PER_TILE, ROWS_PER_TILE)
    pltpu.sync_copy(acc_sh.at[sl], out_hbm.at[c, sl])


_agg_call = pl.kernel(
    _agg_body,
    out_type=jax.ShapeDtypeStruct((NC, ACC_PAD, HIDDEN), jnp.float32),
    mesh=_mesh,
    compiler_params=pltpu.CompilerParams(use_tc_tiling_on_sc=False),
    scratch_types=[
        pltpu.VMEM_SHARED((ACC_PAD, HIDDEN), jnp.float32),
        pltpu.VMEM((CHUNK,), jnp.int32),
        pltpu.VMEM((CHUNK,), jnp.int32),
        pltpu.VMEM((CHUNK, HIDDEN), jnp.float32),
        pltpu.VMEM((ZROWS, HIDDEN), jnp.float32),
        pltpu.SemaphoreType.DMA,
    ],
)


ROW_BLK = 1000
_GRID = N_NODES // ROW_BLK


def _mm_scale_body(x_ref, w_ref, d_ref, h1_ref, h1s_ref):
    h1 = jnp.dot(x_ref[...], w_ref[...], preferred_element_type=jnp.float32)
    h1_ref[...] = h1
    h1s_ref[...] = h1 * d_ref[...]


def _mm_scale(x, W1, dinv2d):
    return pl.pallas_call(
        _mm_scale_body,
        grid=(_GRID,),
        in_specs=[
            pl.BlockSpec((ROW_BLK, IN_DIM), lambda i: (i, 0)),
            pl.BlockSpec((IN_DIM, HIDDEN), lambda i: (0, 0)),
            pl.BlockSpec((ROW_BLK, 1), lambda i: (i, 0)),
        ],
        out_specs=[
            pl.BlockSpec((ROW_BLK, HIDDEN), lambda i: (i, 0)),
            pl.BlockSpec((ROW_BLK, HIDDEN), lambda i: (i, 0)),
        ],
        out_shape=[jax.ShapeDtypeStruct((N_NODES, HIDDEN), jnp.float32)] * 2,
    )(x, W1, dinv2d)


def _layer1_post_body(acc_ref, h1_ref, d_ref, b_ref, H_ref, Hs_ref):
    d = d_ref[...]
    agg = acc_ref[0] + acc_ref[1]
    pre = d * agg + (d * d) * h1_ref[...] + b_ref[...]
    H = jnp.maximum(pre, 0.0)
    H_ref[...] = H
    Hs_ref[...] = H * d


def _layer1_post(accp, h1, dinv2d, b1row):
    return pl.pallas_call(
        _layer1_post_body,
        grid=(_GRID,),
        in_specs=[
            pl.BlockSpec((NC, ROW_BLK, HIDDEN), lambda i: (0, i, 0)),
            pl.BlockSpec((ROW_BLK, HIDDEN), lambda i: (i, 0)),
            pl.BlockSpec((ROW_BLK, 1), lambda i: (i, 0)),
            pl.BlockSpec((1, HIDDEN), lambda i: (0, 0)),
        ],
        out_specs=[
            pl.BlockSpec((ROW_BLK, HIDDEN), lambda i: (i, 0)),
            pl.BlockSpec((ROW_BLK, HIDDEN), lambda i: (i, 0)),
        ],
        out_shape=[jax.ShapeDtypeStruct((N_NODES, HIDDEN), jnp.float32)] * 2,
    )(accp, h1, dinv2d, b1row)


OUT_PAD = 128


def _layer2_post_body(acc_ref, H_ref, d_ref, w_ref, b_ref, out_ref):
    d = d_ref[...]
    tmp = d * (acc_ref[0] + acc_ref[1]) + (d * d) * H_ref[...]
    out_ref[...] = (
        jnp.dot(tmp, w_ref[...], preferred_element_type=jnp.float32)
        + b_ref[...])


def _layer2_post(accp, H, dinv2d, W2p, b2row):
    return pl.pallas_call(
        _layer2_post_body,
        grid=(_GRID,),
        in_specs=[
            pl.BlockSpec((NC, ROW_BLK, HIDDEN), lambda i: (0, i, 0)),
            pl.BlockSpec((ROW_BLK, HIDDEN), lambda i: (i, 0)),
            pl.BlockSpec((ROW_BLK, 1), lambda i: (i, 0)),
            pl.BlockSpec((HIDDEN, OUT_PAD), lambda i: (0, 0)),
            pl.BlockSpec((1, OUT_PAD), lambda i: (0, 0)),
        ],
        out_specs=pl.BlockSpec((ROW_BLK, OUT_PAD), lambda i: (i, 0)),
        out_shape=jax.ShapeDtypeStruct((N_NODES, OUT_PAD), jnp.float32),
    )(accp, H, dinv2d, W2p, b2row)


@jax.jit
def kernel(x, edge_index, W1, b1, W2, b2):
    ei = edge_index.astype(jnp.int32)
    src = ei[0]
    dst = ei[1]

    degp = _deg_call(dst)
    deg = degp[0, :N_NODES] + degp[1, :N_NODES] + 1.0
    dinv2d = lax.rsqrt(deg)[:, None]

    h1, h1s = _mm_scale(x, W1, dinv2d)
    accp1 = _agg_call(h1s, src, dst)[:, :N_NODES]
    H, Hs = _layer1_post(accp1, h1, dinv2d, b1[None, :])
    accp2 = _agg_call(Hs, src, dst)[:, :N_NODES]

    nclass = W2.shape[1]
    W2p = jnp.zeros((HIDDEN, OUT_PAD), jnp.float32).at[:, :nclass].set(W2)
    b2p = jnp.zeros((1, OUT_PAD), jnp.float32).at[0, :nclass].set(b2)
    outp = _layer2_post(accp2, H, dinv2d, W2p, b2p)
    return outp[:, :nclass]

# --- scband reference (transcript-rebuilt; emitter-appended) ---
"""Pipeline reference for scband-gcnnet-24352464570022 (READ-ONLY COPY).

The authoritative reference and input builder live on the scoring server;
editing this copy changes nothing except your own understanding.
"""

import jax, jax.numpy as jnp
import numpy as np

N_NODES = 10000
N_EDGES = 320000
IN_DIM = 128
HIDDEN = 64
NUM_CLASSES = 2


def glorot(key, shape):
    fan_in, fan_out = shape[0], shape[1]
    limit = jnp.sqrt(6.0 / (fan_in + fan_out))
    return jax.random.uniform(key, shape, dtype=jnp.float32, minval=-limit, maxval=limit)


def setup_inputs(seed: int = 0) -> dict:
    key = jax.random.key(seed)
    k1, k2, k3, k4 = jax.random.split(key, 4)
    x = jax.random.normal(k1, (N_NODES, IN_DIM), dtype=jnp.float32)
    edge_index = jax.random.randint(k2, (2, N_EDGES), 0, N_NODES, dtype=jnp.int64)
    W1 = glorot(k3, (IN_DIM, HIDDEN))
    b1 = jnp.zeros((HIDDEN,), dtype=jnp.float32)
    W2 = glorot(k4, (HIDDEN, NUM_CLASSES))
    b2 = jnp.zeros((NUM_CLASSES,), dtype=jnp.float32)
    return {"x": x, "edge_index": edge_index, "W1": W1, "b1": b1, "W2": W2, "b2": b2}


def gcn_conv(x, edge_index, W, b):
    # PyG-style GCNConv: D^{-1/2} (A + I) D^{-1/2} X W + b
    num_nodes = x.shape[0]
    h = x @ W
    loop = jnp.arange(num_nodes, dtype=edge_index.dtype)
    src = jnp.concatenate([edge_index[0], loop])
    dst = jnp.concatenate([edge_index[1], loop])
    ones = jnp.ones(src.shape[0], dtype=h.dtype)
    deg = jax.ops.segment_sum(ones, dst, num_segments=num_nodes)
    dinv = jnp.where(deg > 0, jax.lax.rsqrt(deg), 0.0)
    norm = dinv[src] * dinv[dst]
    msg = h[src] * norm[:, None]
    out = jax.ops.segment_sum(msg, dst, num_segments=num_nodes)
    return out + b


def reference(x, edge_index, W1, b1, W2, b2):
    # layers=2 -> convs = [GCNConv(128,64), GCNConv(64,2)]
    h = gcn_conv(x, edge_index, W1, b1)
    h = jax.nn.relu(h)
    # dropout is identity in eval mode (training=False)
    out = gcn_conv(h, edge_index, W2, b2)
    return out

if __name__ == "__main__":
    import jax
    _d = setup_inputs()
    print(jax.jit(kernel)(*tuple(_d.values())))

</pallas_src>

<mosaic_0001>
#map = affine_map<(d0, d1) -> (0, 0)>
#map1 = affine_map<(d0, d1) -> (0)>
#map2 = affine_map<(d0, d1) -> (0, 0, 0)>
module attributes {stable_mosaic.version = 14 : i64} {
  func.func @_agg_body(%arg0: i32, %arg1: i32, %arg2: memref<10000x64xf32, #tpu.memory_space<hbm>>, %arg3: memref<320000xi32, #tpu.memory_space<hbm>>, %arg4: memref<320000xi32, #tpu.memory_space<hbm>>, %arg5: memref<2x10240x64xf32, #tpu.memory_space<hbm>>, %arg6: memref<10240x64xf32, #tpu.memory_space<vmem_shared>>, %arg7: memref<80xi32, #tpu.memory_space<vmem>>, %arg8: memref<80xi32, #tpu.memory_space<vmem>>, %arg9: memref<80x64xf32, #tpu.memory_space<vmem>>, %arg10: memref<128x64xf32, #tpu.memory_space<vmem>>, %arg11: memref<!tpu.dma_semaphore, #tpu.memory_space<semaphore_mem>>) attributes {dimension_semantics = [#tpu.dimension_semantics<core_parallel>, #tpu.dimension_semantics<subcore_parallel>], iteration_bounds = array<i64: 2, 16>, scalar_prefetch = 0 : i64, scratch_operands = 6 : i64, tpu.core_type = #tpu.core_type<sc_vector_subcore>, window_params = [{transform_indices = #map}, {transform_indices = #map1}, {transform_indices = #map1}, {transform_indices = #map2}]} {
    %mul3A = arith.constant 16 : i32
    %mul3A_0 = arith.muli %arg0, %mul3A : i32
    %add3A = arith.addi %mul3A_0, %arg1 : i32
    %scan3A = arith.constant 0 : i32
    %scan3A_1 = arith.constant 0 : i32
    %scan3A_2 = arith.constant 512 : i32
    %scan3A_3 = arith.addi %scan3A_1, %scan3A_2 : i32
    %scan3A_4 = arith.constant 1 : i32
    %scan3A_5 = scf.for %scan3A_39 = %scan3A_1 to %scan3A_3 step %scan3A_4 iter_args(%scan3A_40 = %scan3A) -> (i32)  : i32 {
      %broadcast_in_dim3A = arith.constant 0.000000e+00 : f32
      %broadcast_in_dim3A_41 = vector.broadcast %broadcast_in_dim3A : f32 to vector<16xf32>
      %jit3A = arith.constant 4 : i32
      %div3A = arith.divsi %scan3A_39, %jit3A : i32
      %sign3A = arith.constant 0 : i32
      %sign3A_42 = arith.cmpi sgt, %scan3A_39, %sign3A : i32
      %sign3A_43 = arith.extui %sign3A_42 : i1 to i32
      %sign3A_44 = arith.constant 0 : i32
      %sign3A_45 = arith.cmpi slt, %scan3A_39, %sign3A_44 : i32
      %sign3A_46 = arith.extui %sign3A_45 : i1 to i32
      %sign3A_47 = arith.subi %sign3A_43, %sign3A_46 : i32
      %sign3A_48 = arith.constant 0 : i32
      %sign3A_49 = arith.cmpi sgt, %jit3A, %sign3A_48 : i32
      %sign3A_50 = arith.extui %sign3A_49 : i1 to i32
      %sign3A_51 = arith.constant 0 : i32
      %sign3A_52 = arith.cmpi slt, %jit3A, %sign3A_51 : i32
      %sign3A_53 = arith.extui %sign3A_52 : i1 to i32
      %sign3A_54 = arith.subi %sign3A_50, %sign3A_53 : i32
      %ne3A = arith.cmpi ne, %sign3A_47, %sign3A_54 : i32
      %rem3A = arith.remsi %scan3A_39, %jit3A : i32
      %ne3A_55 = arith.constant 0 : i32
      %ne3A_56 = arith.cmpi ne, %rem3A, %ne3A_55 : i32
      %and3A = arith.andi %ne3A, %ne3A_56 : i1
      %sub3A = arith.constant 1 : i32
      %sub3A_57 = arith.subi %div3A, %sub3A : i32
      %select_n3A = arith.select %and3A, %sub3A_57, %div3A : i32
      %jit3A_58 = arith.constant 4 : i32
      %eq3A = arith.constant 0 : i32
      %eq3A_59 = arith.cmpi eq, %jit3A_58, %eq3A : i32
      %jit3A_60 = arith.constant 1 : i32
      %select_n3A_61 = arith.select %eq3A_59, %jit3A_60, %jit3A_58 : i32
      %rem3A_62 = arith.remsi %scan3A_39, %select_n3A_61 : i32
      %ne3A_63 = arith.constant 0 : i32
      %ne3A_64 = arith.cmpi ne, %rem3A_62, %ne3A_63 : i32
      %lt3A = arith.constant 0 : i32
      %lt3A_65 = arith.cmpi slt, %rem3A_62, %lt3A : i32
      %lt3A_66 = arith.constant 0 : i32
      %lt3A_67 = arith.cmpi slt, %select_n3A_61, %lt3A_66 : i32
      %ne3A_68 = arith.xori %lt3A_65, %lt3A_67 : i1
      %and3A_69 = arith.andi %ne3A_68, %ne3A_64 : i1
      %add3A_70 = arith.addi %rem3A_62, %select_n3A_61 : i32
      %select_n3A_71 = arith.select %and3A_69, %add3A_70, %rem3A_62 : i32
      %mul3A_72 = arith.constant 16 : i32
      %mul3A_73 = arith.muli %select_n3A_71, %mul3A_72 : i32
      %swap3A = arith.index_cast %select_n3A : i32 to index
      %swap3A_74 = arith.index_cast %mul3A_73 : i32 to index
      %swap3A_75 = tpu.vector_load %arg10[%swap3A, %swap3A_74] {strides = array<i32>} : memref<128x64xf32, #tpu.memory_space<vmem>>, vector<1x16xf32>,
      %swap3A_76 = vector.shape_cast %swap3A_75 : vector<1x16xf32> to vector<16xf32>
      %swap3A_77 = vector.shape_cast %broadcast_in_dim3A_41 : vector<16xf32> to vector<1x16xf32>
      tpu.vector_store %arg10[%swap3A, %swap3A_74], %swap3A_77 {strides = array<i32>} : memref<128x64xf32, #tpu.memory_space<vmem>>, vector<1x16xf32>,
      %scan3A_78 = arith.constant 0 : i32
      scf.yield %scan3A_78 : i32
    }
    %scan3A_6 = arith.constant 512 : i32
    %mul3A_7 = arith.constant 640 : i32
    %mul3A_8 = arith.muli %arg1, %mul3A_7 : i32
    %add3A_9 = arith.constant 0 : i32
    %add3A_10 = arith.addi %mul3A_8, %add3A_9 : i32
    "tpu.region"() ({
      %run_scoped3A = tpu.sem_alloc : memref<!tpu.dma_semaphore, #tpu.memory_space<semaphore_mem>>
      %dma_start3A = arith.constant 0 : i32
      %dma_start3A_39 = tpu.memref_slice %arg6[%add3A_10, %dma_start3A] : memref<10240x64xf32, #tpu.memory_space<vmem_shared>> -> memref<128x64xf32, #tpu.memory_space<vmem_shared>>
      %dma_start3A_40 = arith.constant 0 : i32
      %dma_start3A_41 = tpu.memref_slice %arg6[%add3A_10, %dma_start3A_40] : memref<10240x64xf32, #tpu.memory_space<vmem_shared>> -> memref<128x64xf32, #tpu.memory_space<vmem_shared>>
      tpu.enqueue_dma source(%arg10 : memref<128x64xf32, #tpu.memory_space<vmem>>) target(%dma_start3A_41 : memref<128x64xf32, #tpu.memory_space<vmem_shared>>) target_semaphore(%run_scoped3A : memref<!tpu.dma_semaphore, #tpu.memory_space<semaphore_mem>>)
      %dma_wait3A = arith.constant 0 : i32
      %dma_wait3A_42 = tpu.memref_slice %arg6[%add3A_10, %dma_wait3A] : memref<10240x64xf32, #tpu.memory_space<vmem_shared>> -> memref<128x64xf32, #tpu.memory_space<vmem_shared>>
      %dma_wait3A_43 = arith.constant 0 : i32
      %dma_wait3A_44 = tpu.memref_slice %arg6[%add3A_10, %dma_wait3A_43] : memref<10240x64xf32, #tpu.memory_space<vmem_shared>> -> memref<128x64xf32, #tpu.memory_space<vmem_shared>>
      tpu.wait_dma2 semaphore(%run_scoped3A : memref<!tpu.dma_semaphore, #tpu.memory_space<semaphore_mem>>) src(%arg10 : memref<128x64xf32, #tpu.memory_space<vmem>>) dst(%dma_wait3A_44 : memref<128x64xf32, #tpu.memory_space<vmem_shared>>)
      tpu.yield
    }) : () -> ()
    %mul3A_11 = arith.constant 640 : i32
    %mul3A_12 = arith.muli %arg1, %mul3A_11 : i32
    %add3A_13 = arith.constant 128 : i32
    %add3A_14 = arith.addi %mul3A_12, %add3A_13 : i32
    "tpu.region"() ({
      %run_scoped3A = tpu.sem_alloc : memref<!tpu.dma_semaphore, #tpu.memory_space<semaphore_mem>>
      %dma_start3A = arith.constant 0 : i32
      %dma_start3A_39 = tpu.memref_slice %arg6[%add3A_14, %dma_start3A] : memref<10240x64xf32, #tpu.memory_space<vmem_shared>> -> memref<128x64xf32, #tpu.memory_space<vmem_shared>>
      %dma_start3A_40 = arith.constant 0 : i32
      %dma_start3A_41 = tpu.memref_slice %arg6[%add3A_14, %dma_start3A_40] : memref<10240x64xf32, #tpu.memory_space<vmem_shared>> -> memref<128x64xf32, #tpu.memory_space<vmem_shared>>
      tpu.enqueue_dma source(%arg10 : memref<128x64xf32, #tpu.memory_space<vmem>>) target(%dma_start3A_41 : memref<128x64xf32, #tpu.memory_space<vmem_shared>>) target_semaphore(%run_scoped3A : memref<!tpu.dma_semaphore, #tpu.memory_space<semaphore_mem>>)
      %dma_wait3A = arith.constant 0 : i32
      %dma_wait3A_42 = tpu.memref_slice %arg6[%add3A_14, %dma_wait3A] : memref<10240x64xf32, #tpu.memory_space<vmem_shared>> -> memref<128x64xf32, #tpu.memory_space<vmem_shared>>
      %dma_wait3A_43 = arith.constant 0 : i32
      %dma_wait3A_44 = tpu.memref_slice %arg6[%add3A_14, %dma_wait3A_43] : memref<10240x64xf32, #tpu.memory_space<vmem_shared>> -> memref<128x64xf32, #tpu.memory_space<vmem_shared>>
      tpu.wait_dma2 semaphore(%run_scoped3A : memref<!tpu.dma_semaphore, #tpu.memory_space<semaphore_mem>>) src(%arg10 : memref<128x64xf32, #tpu.memory_space<vmem>>) dst(%dma_wait3A_44 : memref<128x64xf32, #tpu.memory_space<vmem_shared>>)
      tpu.yield
    }) : () -> ()
    %mul3A_15 = arith.constant 640 : i32
    %mul3A_16 = arith.muli %arg1, %mul3A_15 : i32
    %add3A_17 = arith.constant 256 : i32
    %add3A_18 = arith.addi %mul3A_16, %add3A_17 : i32
    "tpu.region"() ({
      %run_scoped3A = tpu.sem_alloc : memref<!tpu.dma_semaphore, #tpu.memory_space<semaphore_mem>>
      %dma_start3A = arith.constant 0 : i32
      %dma_start3A_39 = tpu.memref_slice %arg6[%add3A_18, %dma_start3A] : memref<10240x64xf32, #tpu.memory_space<vmem_shared>> -> memref<128x64xf32, #tpu.memory_space<vmem_shared>>
      %dma_start3A_40 = arith.constant 0 : i32
      %dma_start3A_41 = tpu.memref_slice %arg6[%add3A_18, %dma_start3A_40] : memref<10240x64xf32, #tpu.memory_space<vmem_shared>> -> memref<128x64xf32, #tpu.memory_space<vmem_shared>>
      tpu.enqueue_dma source(%arg10 : memref<128x64xf32, #tpu.memory_space<vmem>>) target(%dma_start3A_41 : memref<128x64xf32, #tpu.memory_space<vmem_shared>>) target_semaphore(%run_scoped3A : memref<!tpu.dma_semaphore, #tpu.memory_space<semaphore_mem>>)
      %dma_wait3A = arith.constant 0 : i32
      %dma_wait3A_42 = tpu.memref_slice %arg6[%add3A_18, %dma_wait3A] : memref<10240x64xf32, #tpu.memory_space<vmem_shared>> -> memref<128x64xf32, #tpu.memory_space<vmem_shared>>
      %dma_wait3A_43 = arith.constant 0 : i32
      %dma_wait3A_44 = tpu.memref_slice %arg6[%add3A_18, %dma_wait3A_43] : memref<10240x64xf32, #tpu.memory_space<vmem_shared>> -> memref<128x64xf32, #tpu.memory_space<vmem_shared>>
      tpu.wait_dma2 semaphore(%run_scoped3A : memref<!tpu.dma_semaphore, #tpu.memory_space<semaphore_mem>>) src(%arg10 : memref<128x64xf32, #tpu.memory_space<vmem>>) dst(%dma_wait3A_44 : memref<128x64xf32, #tpu.memory_space<vmem_shared>>)
      tpu.yield
    }) : () -> ()
    %mul3A_19 = arith.constant 640 : i32
    %mul3A_20 = arith.muli %arg1, %mul3A_19 : i32
    %add3A_21 = arith.constant 384 : i32
    %add3A_22 = arith.addi %mul3A_20, %add3A_21 : i32
    "tpu.region"() ({
      %run_scoped3A = tpu.sem_alloc : memref<!tpu.dma_semaphore, #tpu.memory_space<semaphore_mem>>
      %dma_start3A = arith.constant 0 : i32
      %dma_start3A_39 = tpu.memref_slice %arg6[%add3A_22, %dma_start3A] : memref<10240x64xf32, #tpu.memory_space<vmem_shared>> -> memref<128x64xf32, #tpu.memory_space<vmem_shared>>
      %dma_start3A_40 = arith.constant 0 : i32
      %dma_start3A_41 = tpu.memref_slice %arg6[%add3A_22, %dma_start3A_40] : memref<10240x64xf32, #tpu.memory_space<vmem_shared>> -> memref<128x64xf32, #tpu.memory_space<vmem_shared>>
      tpu.enqueue_dma source(%arg10 : memref<128x64xf32, #tpu.memory_space<vmem>>) target(%dma_start3A_41 : memref<128x64xf32, #tpu.memory_space<vmem_shared>>) target_semaphore(%run_scoped3A : memref<!tpu.dma_semaphore, #tpu.memory_space<semaphore_mem>>)
      %dma_wait3A = arith.constant 0 : i32
      %dma_wait3A_42 = tpu.memref_slice %arg6[%add3A_22, %dma_wait3A] : memref<10240x64xf32, #tpu.memory_space<vmem_shared>> -> memref<128x64xf32, #tpu.memory_space<vmem_shared>>
      %dma_wait3A_43 = arith.constant 0 : i32
      %dma_wait3A_44 = tpu.memref_slice %arg6[%add3A_22, %dma_wait3A_43] : memref<10240x64xf32, #tpu.memory_space<vmem_shared>> -> memref<128x64xf32, #tpu.memory_space<vmem_shared>>
      tpu.wait_dma2 semaphore(%run_scoped3A : memref<!tpu.dma_semaphore, #tpu.memory_space<semaphore_mem>>) src(%arg10 : memref<128x64xf32, #tpu.memory_space<vmem>>) dst(%dma_wait3A_44 : memref<128x64xf32, #tpu.memory_space<vmem_shared>>)
      tpu.yield
    }) : () -> ()
    %mul3A_23 = arith.constant 640 : i32
    %mul3A_24 = arith.muli %arg1, %mul3A_23 : i32
    %add3A_25 = arith.constant 512 : i32
    %add3A_26 = arith.addi %mul3A_24, %add3A_25 : i32
    "tpu.region"() ({
      %run_scoped3A = tpu.sem_alloc : memref<!tpu.dma_semaphore, #tpu.memory_space<semaphore_mem>>
      %dma_start3A = arith.constant 0 : i32
      %dma_start3A_39 = tpu.memref_slice %arg6[%add3A_26, %dma_start3A] : memref<10240x64xf32, #tpu.memory_space<vmem_shared>> -> memref<128x64xf32, #tpu.memory_space<vmem_shared>>
      %dma_start3A_40 = arith.constant 0 : i32
      %dma_start3A_41 = tpu.memref_slice %arg6[%add3A_26, %dma_start3A_40] : memref<10240x64xf32, #tpu.memory_space<vmem_shared>> -> memref<128x64xf32, #tpu.memory_space<vmem_shared>>
      tpu.enqueue_dma source(%arg10 : memref<128x64xf32, #tpu.memory_space<vmem>>) target(%dma_start3A_41 : memref<128x64xf32, #tpu.memory_space<vmem_shared>>) target_semaphore(%run_scoped3A : memref<!tpu.dma_semaphore, #tpu.memory_space<semaphore_mem>>)
      %dma_wait3A = arith.constant 0 : i32
      %dma_wait3A_42 = tpu.memref_slice %arg6[%add3A_26, %dma_wait3A] : memref<10240x64xf32, #tpu.memory_space<vmem_shared>> -> memref<128x64xf32, #tpu.memory_space<vmem_shared>>
      %dma_wait3A_43 = arith.constant 0 : i32
      %dma_wait3A_44 = tpu.memref_slice %arg6[%add3A_26, %dma_wait3A_43] : memref<10240x64xf32, #tpu.memory_space<vmem_shared>> -> memref<128x64xf32, #tpu.memory_space<vmem_shared>>
      tpu.wait_dma2 semaphore(%run_scoped3A : memref<!tpu.dma_semaphore, #tpu.memory_space<semaphore_mem>>) src(%arg10 : memref<128x64xf32, #tpu.memory_space<vmem>>) dst(%dma_wait3A_44 : memref<128x64xf32, #tpu.memory_space<vmem_shared>>)
      tpu.yield
    }) : () -> ()
    %barrier3A = arith.constant 0 : index
    tpu.barrier barrier_id(%barrier3A)
    %mul3A_27 = arith.constant 10000 : i32
    %mul3A_28 = arith.muli %add3A, %mul3A_27 : i32
    %scan3A_29 = arith.constant 0 : i32
    %scan3A_30 = arith.constant 0 : i32
    %scan3A_31 = arith.constant 125 : i32
    %scan3A_32 = arith.addi %scan3A_30, %scan3A_31 : i32
    %scan3A_33 = arith.constant 1 : i32
    %scan3A_34 = scf.for %scan3A_39 = %scan3A_30 to %scan3A_32 step %scan3A_33 iter_args(%scan3A_40 = %scan3A_29) -> (i32)  : i32 {
      %mul3A_41 = arith.constant 80 : i32
      %mul3A_42 = arith.muli %scan3A_39, %mul3A_41 : i32
      %add3A_43 = arith.addi %mul3A_28, %mul3A_42 : i32
      %multiple_of3A = tpu.assume_multiple %add3A_43, 8 : i32
      "tpu.region"() ({
        %run_scoped3A = tpu.sem_alloc : memref<!tpu.dma_semaphore, #tpu.memory_space<semaphore_mem>>
        %dma_start3A_49 = tpu.memref_slice %arg3[%multiple_of3A] : memref<320000xi32, #tpu.memory_space<hbm>> -> memref<80xi32, #tpu.memory_space<hbm>>
        %dma_start3A_50 = tpu.memref_slice %arg3[%multiple_of3A] : memref<320000xi32, #tpu.memory_space<hbm>> -> memref<80xi32, #tpu.memory_space<hbm>>
        tpu.enqueue_dma source(%dma_start3A_50 : memref<80xi32, #tpu.memory_space<hbm>>) target(%arg7 : memref<80xi32, #tpu.memory_space<vmem>>) target_semaphore(%run_scoped3A : memref<!tpu.dma_semaphore, #tpu.memory_space<semaphore_mem>>)
        %dma_wait3A_51 = tpu.memref_slice %arg3[%multiple_of3A] : memref<320000xi32, #tpu.memory_space<hbm>> -> memref<80xi32, #tpu.memory_space<hbm>>
        %dma_wait3A_52 = tpu.memref_slice %arg3[%multiple_of3A] : memref<320000xi32, #tpu.memory_space<hbm>> -> memref<80xi32, #tpu.memory_space<hbm>>
        tpu.wait_dma2 semaphore(%run_scoped3A : memref<!tpu.dma_semaphore, #tpu.memory_space<semaphore_mem>>) src(%dma_wait3A_52 : memref<80xi32, #tpu.memory_space<hbm>>) dst(%arg7 : memref<80xi32, #tpu.memory_space<vmem>>)
        tpu.yield
      }) : () -> ()
      "tpu.region"() ({
        %run_scoped3A = tpu.sem_alloc : memref<!tpu.dma_semaphore, #tpu.memory_space<semaphore_mem>>
        %dma_start3A_49 = tpu.memref_slice %arg4[%multiple_of3A] : memref<320000xi32, #tpu.memory_space<hbm>> -> memref<80xi32, #tpu.memory_space<hbm>>
        %dma_start3A_50 = tpu.memref_slice %arg4[%multiple_of3A] : memref<320000xi32, #tpu.memory_space<hbm>> -> memref<80xi32, #tpu.memory_space<hbm>>
        tpu.enqueue_dma source(%dma_start3A_50 : memref<80xi32, #tpu.memory_space<hbm>>) target(%arg8 : memref<80xi32, #tpu.memory_space<vmem>>) target_semaphore(%run_scoped3A : memref<!tpu.dma_semaphore, #tpu.memory_space<semaphore_mem>>)
        %dma_wait3A_51 = tpu.memref_slice %arg4[%multiple_of3A] : memref<320000xi32, #tpu.memory_space<hbm>> -> memref<80xi32, #tpu.memory_space<hbm>>
        %dma_wait3A_52 = tpu.memref_slice %arg4[%multiple_of3A] : memref<320000xi32, #tpu.memory_space<hbm>> -> memref<80xi32, #tpu.memory_space<hbm>>
        tpu.wait_dma2 semaphore(%run_scoped3A : memref<!tpu.dma_semaphore, #tpu.memory_space<semaphore_mem>>) src(%dma_wait3A_52 : memref<80xi32, #tpu.memory_space<hbm>>) dst(%arg8 : memref<80xi32, #tpu.memory_space<vmem>>)
        tpu.yield
      }) : () -> ()
      %dma_start3A = arith.constant 0 : i32
      %dma_start3A_44 = arith.constant 0 : i32
      %dma_start3A_45 = tpu.memref_slice %arg2[%dma_start3A, %dma_start3A_44] : memref<10000x64xf32, #tpu.memory_space<hbm>> -> memref<10000x64xf32, #tpu.memory_space<hbm>>
      tpu.enqueue_indirect_dma source(%dma_start3A_45 : memref<10000x64xf32, #tpu.memory_space<hbm>>) target(%arg9 : memref<80x64xf32, #tpu.memory_space<vmem>>) offsets(%arg7 : memref<80xi32, #tpu.memory_space<vmem>>) semaphore(%arg11 : memref<!tpu.dma_semaphore, #tpu.memory_space<semaphore_mem>>)
      %dma_wait3A = arith.constant 0 : i32
      %dma_wait3A_46 = arith.constant 0 : i32
      %dma_wait3A_47 = tpu.memref_slice %arg2[%dma_wait3A, %dma_wait3A_46] : memref<10000x64xf32, #tpu.memory_space<hbm>> -> memref<10000x64xf32, #tpu.memory_space<hbm>>
      tpu.wait_indirect_dma semaphore(%arg11 : memref<!tpu.dma_semaphore, #tpu.memory_space<semaphore_mem>>) src(%dma_wait3A_47 : memref<10000x64xf32, #tpu.memory_space<hbm>>) dst(%arg9 : memref<80x64xf32, #tpu.memory_space<vmem>>)
      "tpu.region"() ({
        %run_scoped3A = tpu.sem_alloc : memref<!tpu.dma_semaphore, #tpu.memory_space<semaphore_mem>>
        %dma_start3A_49 = arith.constant 0 : i32
        %dma_start3A_50 = arith.constant 0 : i32
        %dma_start3A_51 = tpu.memref_slice %arg6[%dma_start3A_49, %dma_start3A_50] : memref<10240x64xf32, #tpu.memory_space<vmem_shared>> -> memref<10240x64xf32, #tpu.memory_space<vmem_shared>>
        tpu.enqueue_indirect_dma source(%arg9 : memref<80x64xf32, #tpu.memory_space<vmem>>) target(%dma_start3A_51 : memref<10240x64xf32, #tpu.memory_space<vmem_shared>>) offsets(%arg8 : memref<80xi32, #tpu.memory_space<vmem>>) semaphore(%run_scoped3A : memref<!tpu.dma_semaphore, #tpu.memory_space<semaphore_mem>>) {add = true}
        %dma_wait3A_52 = arith.constant 0 : i32
        %dma_wait3A_53 = arith.constant 0 : i32
        %dma_wait3A_54 = tpu.memref_slice %arg6[%dma_wait3A_52, %dma_wait3A_53] : memref<10240x64xf32, #tpu.memory_space<vmem_shared>> -> memref<10240x64xf32, #tpu.memory_space<vmem_shared>>
        tpu.wait_indirect_dma semaphore(%run_scoped3A : memref<!tpu.dma_semaphore, #tpu.memory_space<semaphore_mem>>) src(%arg9 : memref<80x64xf32, #tpu.memory_space<vmem>>) dst(%dma_wait3A_54 : memref<10240x64xf32, #tpu.memory_space<vmem_shared>>)
        tpu.yield
      }) : () -> ()
      %scan3A_48 = arith.constant 0 : i32
      scf.yield %scan3A_48 : i32
    }
    %scan3A_35 = arith.constant 125 : i32
    %barrier3A_36 = arith.constant 0 : index
    tpu.barrier barrier_id(%barrier3A_36)
    %mul3A_37 = arith.constant 640 : i32
    %mul3A_38 = arith.muli %arg1, %mul3A_37 : i32
    "tpu.region"() ({
      %run_scoped3A = tpu.sem_alloc : memref<!tpu.dma_semaphore, #tpu.memory_space<semaphore_mem>>
      %dma_start3A = arith.constant 0 : i32
      %dma_start3A_39 = tpu.memref_slice %arg5[%arg0, %mul3A_38, %dma_start3A] : memref<2x10240x64xf32, #tpu.memory_space<hbm>> -> memref<1x640x64xf32, #tpu.memory_space<hbm>>
      %dma_start3A_40 = tpu.memref_squeeze %dma_start3A_39 : memref<1x640x64xf32, #tpu.memory_space<hbm>> -> memref<640x64xf32, #tpu.memory_space<hbm>>
      %dma_start3A_41 = arith.constant 0 : i32
      %dma_start3A_42 = tpu.memref_slice %arg6[%mul3A_38, %dma_start3A_41] : memref<10240x64xf32, #tpu.memory_space<vmem_shared>> -> memref<640x64xf32, #tpu.memory_space<vmem_shared>>
      tpu.enqueue_dma source(%dma_start3A_42 : memref<640x64xf32, #tpu.memory_space<vmem_shared>>) target(%dma_start3A_40 : memref<640x64xf32, #tpu.memory_space<hbm>>) target_semaphore(%run_scoped3A : memref<!tpu.dma_semaphore, #tpu.memory_space<semaphore_mem>>)
      %dma_wait3A = arith.constant 0 : i32
      %dma_wait3A_43 = tpu.memref_slice %arg5[%arg0, %mul3A_38, %dma_wait3A] : memref<2x10240x64xf32, #tpu.memory_space<hbm>> -> memref<1x640x64xf32, #tpu.memory_space<hbm>>
      %dma_wait3A_44 = tpu.memref_squeeze %dma_wait3A_43 : memref<1x640x64xf32, #tpu.memory_space<hbm>> -> memref<640x64xf32, #tpu.memory_space<hbm>>
      %dma_wait3A_45 = arith.constant 0 : i32
      %dma_wait3A_46 = tpu.memref_slice %arg6[%mul3A_38, %dma_wait3A_45] : memref<10240x64xf32, #tpu.memory_space<vmem_shared>> -> memref<640x64xf32, #tpu.memory_space<vmem_shared>>
      tpu.wait_dma2 semaphore(%run_scoped3A : memref<!tpu.dma_semaphore, #tpu.memory_space<semaphore_mem>>) src(%dma_wait3A_46 : memref<640x64xf32, #tpu.memory_space<vmem_shared>>) dst(%dma_wait3A_44 : memref<640x64xf32, #tpu.memory_space<hbm>>)
      tpu.yield
    }) : () -> ()
    return
  }
}

#map = affine_map<(d0, d1) -> (0)>
#map1 = affine_map<(d0, d1) -> (0, 0)>
module attributes {stable_mosaic.version = 14 : i64} {
  func.func @_deg_body(%arg0: i32, %arg1: i32, %arg2: memref<320000xi32, #tpu.memory_space<hbm>>, %arg3: memref<2x10240xf32, #tpu.memory_space<hbm>>, %arg4: memref<10240xf32, #tpu.memory_space<vmem_shared>>, %arg5: memref<80xi32, #tpu.memory_space<vmem>>, %arg6: memref<80xf32, #tpu.memory_space<vmem>>, %arg7: memref<640xf32, #tpu.memory_space<vmem>>, %arg8: memref<!tpu.dma_semaphore, #tpu.memory_space<semaphore_mem>>) attributes {dimension_semantics = [#tpu.dimension_semantics<core_parallel>, #tpu.dimension_semantics<subcore_parallel>], iteration_bounds = array<i64: 2, 16>, scalar_prefetch = 0 : i64, scratch_operands = 5 : i64, tpu.core_type = #tpu.core_type<sc_vector_subcore>, window_params = [{transform_indices = #map}, {transform_indices = #map1}]} {
    %mul3A = arith.constant 16 : i32
    %mul3A_0 = arith.muli %arg0, %mul3A : i32
    %add3A = arith.addi %mul3A_0, %arg1 : i32
    %scan3A = arith.constant 0 : i32
    %scan3A_1 = arith.constant 0 : i32
    %scan3A_2 = arith.constant 40 : i32
    %scan3A_3 = arith.addi %scan3A_1, %scan3A_2 : i32
    %scan3A_4 = arith.constant 1 : i32
    %scan3A_5 = scf.for %scan3A_21 = %scan3A_1 to %scan3A_3 step %scan3A_4 iter_args(%scan3A_22 = %scan3A) -> (i32)  : i32 {
      %broadcast_in_dim3A = arith.constant 0.000000e+00 : f32
      %broadcast_in_dim3A_23 = vector.broadcast %broadcast_in_dim3A : f32 to vector<16xf32>
      %mul3A_24 = arith.constant 16 : i32
      %mul3A_25 = arith.muli %scan3A_21, %mul3A_24 : i32
      %swap3A = arith.index_cast %mul3A_25 : i32 to index
      %swap3A_26 = tpu.vector_load %arg7[%swap3A] {strides = array<i32>} : memref<640xf32, #tpu.memory_space<vmem>>, vector<16xf32>,
      %swap3A_27 = vector.shape_cast %swap3A_26 : vector<16xf32> to vector<16xf32>
      %swap3A_28 = vector.shape_cast %broadcast_in_dim3A_23 : vector<16xf32> to vector<16xf32>
      tpu.vector_store %arg7[%swap3A], %swap3A_28 {strides = array<i32>} : memref<640xf32, #tpu.memory_space<vmem>>, vector<16xf32>,
      %broadcast_in_dim3A_29 = arith.constant 1.000000e+00 : f32
      %broadcast_in_dim3A_30 = vector.broadcast %broadcast_in_dim3A_29 : f32 to vector<16xf32>
      %jit3A = arith.constant 5 : i32
      %eq3A = arith.constant 0 : i32
      %eq3A_31 = arith.cmpi eq, %jit3A, %eq3A : i32
      %jit3A_32 = arith.constant 1 : i32
      %select_n3A = arith.select %eq3A_31, %jit3A_32, %jit3A : i32
      %rem3A = arith.remsi %scan3A_21, %select_n3A : i32
      %ne3A = arith.constant 0 : i32
      %ne3A_33 = arith.cmpi ne, %rem3A, %ne3A : i32
      %lt3A = arith.constant 0 : i32
      %lt3A_34 = arith.cmpi slt, %rem3A, %lt3A : i32
      %lt3A_35 = arith.constant 0 : i32
      %lt3A_36 = arith.cmpi slt, %select_n3A, %lt3A_35 : i32
      %ne3A_37 = arith.xori %lt3A_34, %lt3A_36 : i1
      %and3A = arith.andi %ne3A_37, %ne3A_33 : i1
      %add3A_38 = arith.addi %rem3A, %select_n3A : i32
      %select_n3A_39 = arith.select %and3A, %add3A_38, %rem3A : i32
      %mul3A_40 = arith.constant 16 : i32
      %mul3A_41 = arith.muli %select_n3A_39, %mul3A_40 : i32
      %swap3A_42 = arith.index_cast %mul3A_41 : i32 to index
      %swap3A_43 = tpu.vector_load %arg6[%swap3A_42] {strides = array<i32>} : memref<80xf32, #tpu.memory_space<vmem>>, vector<16xf32>,
      %swap3A_44 = vector.shape_cast %swap3A_43 : vector<16xf32> to vector<16xf32>
      %swap3A_45 = vector.shape_cast %broadcast_in_dim3A_30 : vector<16xf32> to vector<16xf32>
      tpu.vector_store %arg6[%swap3A_42], %swap3A_45 {strides = array<i32>} : memref<80xf32, #tpu.memory_space<vmem>>, vector<16xf32>,
      %scan3A_46 = arith.constant 0 : i32
      scf.yield %scan3A_46 : i32
    }
    %scan3A_6 = arith.constant 40 : i32
    %mul3A_7 = arith.constant 640 : i32
    %mul3A_8 = arith.muli %arg1, %mul3A_7 : i32
    "tpu.region"() ({
      %run_scoped3A = tpu.sem_alloc : memref<!tpu.dma_semaphore, #tpu.memory_space<semaphore_mem>>
      %dma_start3A = tpu.memref_slice %arg4[%mul3A_8] : memref<10240xf32, #tpu.memory_space<vmem_shared>> -> memref<640xf32, #tpu.memory_space<vmem_shared>>
      %dma_start3A_21 = tpu.memref_slice %arg4[%mul3A_8] : memref<10240xf32, #tpu.memory_space<vmem_shared>> -> memref<640xf32, #tpu.memory_space<vmem_shared>>
      tpu.enqueue_dma source(%arg7 : memref<640xf32, #tpu.memory_space<vmem>>) target(%dma_start3A_21 : memref<640xf32, #tpu.memory_space<vmem_shared>>) target_semaphore(%run_scoped3A : memref<!tpu.dma_semaphore, #tpu.memory_space<semaphore_mem>>)
      %dma_wait3A = tpu.memref_slice %arg4[%mul3A_8] : memref<10240xf32, #tpu.memory_space<vmem_shared>> -> memref<640xf32, #tpu.memory_space<vmem_shared>>
      %dma_wait3A_22 = tpu.memref_slice %arg4[%mul3A_8] : memref<10240xf32, #tpu.memory_space<vmem_shared>> -> memref<640xf32, #tpu.memory_space<vmem_shared>>
      tpu.wait_dma2 semaphore(%run_scoped3A : memref<!tpu.dma_semaphore, #tpu.memory_space<semaphore_mem>>) src(%arg7 : memref<640xf32, #tpu.memory_space<vmem>>) dst(%dma_wait3A_22 : memref<640xf32, #tpu.memory_space<vmem_shared>>)
      tpu.yield
    }) : () -> ()
    %barrier3A = arith.constant 0 : index
    tpu.barrier barrier_id(%barrier3A)
    %mul3A_9 = arith.constant 10000 : i32
    %mul3A_10 = arith.muli %add3A, %mul3A_9 : i32
    %scan3A_11 = arith.constant 0 : i32
    %scan3A_12 = arith.constant 0 : i32
    %scan3A_13 = arith.constant 125 : i32
    %scan3A_14 = arith.addi %scan3A_12, %scan3A_13 : i32
    %scan3A_15 = arith.constant 1 : i32
    %scan3A_16 = scf.for %scan3A_21 = %scan3A_12 to %scan3A_14 step %scan3A_15 iter_args(%scan3A_22 = %scan3A_11) -> (i32)  : i32 {
      %mul3A_23 = arith.constant 80 : i32
      %mul3A_24 = arith.muli %scan3A_21, %mul3A_23 : i32
      %add3A_25 = arith.addi %mul3A_10, %mul3A_24 : i32
      %multiple_of3A = tpu.assume_multiple %add3A_25, 8 : i32
      "tpu.region"() ({
        %run_scoped3A = tpu.sem_alloc : memref<!tpu.dma_semaphore, #tpu.memory_space<semaphore_mem>>
        %dma_start3A = tpu.memref_slice %arg2[%multiple_of3A] : memref<320000xi32, #tpu.memory_space<hbm>> -> memref<80xi32, #tpu.memory_space<hbm>>
        %dma_start3A_27 = tpu.memref_slice %arg2[%multiple_of3A] : memref<320000xi32, #tpu.memory_space<hbm>> -> memref<80xi32, #tpu.memory_space<hbm>>
        tpu.enqueue_dma source(%dma_start3A_27 : memref<80xi32, #tpu.memory_space<hbm>>) target(%arg5 : memref<80xi32, #tpu.memory_space<vmem>>) target_semaphore(%run_scoped3A : memref<!tpu.dma_semaphore, #tpu.memory_space<semaphore_mem>>)
        %dma_wait3A = tpu.memref_slice %arg2[%multiple_of3A] : memref<320000xi32, #tpu.memory_space<hbm>> -> memref<80xi32, #tpu.memory_space<hbm>>
        %dma_wait3A_28 = tpu.memref_slice %arg2[%multiple_of3A] : memref<320000xi32, #tpu.memory_space<hbm>> -> memref<80xi32, #tpu.memory_space<hbm>>
        tpu.wait_dma2 semaphore(%run_scoped3A : memref<!tpu.dma_semaphore, #tpu.memory_space<semaphore_mem>>) src(%dma_wait3A_28 : memref<80xi32, #tpu.memory_space<hbm>>) dst(%arg5 : memref<80xi32, #tpu.memory_space<vmem>>)
        tpu.yield
      }) : () -> ()
      "tpu.region"() ({
        %run_scoped3A = tpu.sem_alloc : memref<!tpu.dma_semaphore, #tpu.memory_space<semaphore_mem>>
        %dma_start3A = arith.constant 0 : i32
        %dma_start3A_27 = tpu.memref_slice %arg4[%dma_start3A] : memref<10240xf32, #tpu.memory_space<vmem_shared>> -> memref<10240xf32, #tpu.memory_space<vmem_shared>>
        tpu.enqueue_indirect_dma source(%arg6 : memref<80xf32, #tpu.memory_space<vmem>>) target(%dma_start3A_27 : memref<10240xf32, #tpu.memory_space<vmem_shared>>) offsets(%arg5 : memref<80xi32, #tpu.memory_space<vmem>>) semaphore(%run_scoped3A : memref<!tpu.dma_semaphore, #tpu.memory_space<semaphore_mem>>) {add = true}
        %dma_wait3A = arith.constant 0 : i32
        %dma_wait3A_28 = tpu.memref_slice %arg4[%dma_wait3A] : memref<10240xf32, #tpu.memory_space<vmem_shared>> -> memref<10240xf32, #tpu.memory_space<vmem_shared>>
        tpu.wait_indirect_dma semaphore(%run_scoped3A : memref<!tpu.dma_semaphore, #tpu.memory_space<semaphore_mem>>) src(%arg6 : memref<80xf32, #tpu.memory_space<vmem>>) dst(%dma_wait3A_28 : memref<10240xf32, #tpu.memory_space<vmem_shared>>)
        tpu.yield
      }) : () -> ()
      %scan3A_26 = arith.constant 0 : i32
      scf.yield %scan3A_26 : i32
    }
    %scan3A_17 = arith.constant 125 : i32
    %barrier3A_18 = arith.constant 0 : index
    tpu.barrier barrier_id(%barrier3A_18)
    %mul3A_19 = arith.constant 640 : i32
    %mul3A_20 = arith.muli %arg1, %mul3A_19 : i32
    "tpu.region"() ({
      %run_scoped3A = tpu.sem_alloc : memref<!tpu.dma_semaphore, #tpu.memory_space<semaphore_mem>>
      %dma_start3A = tpu.memref_slice %arg3[%arg0, %mul3A_20] : memref<2x10240xf32, #tpu.memory_space<hbm>> -> memref<1x640xf32, #tpu.memory_space<hbm>>
      %dma_start3A_21 = tpu.memref_squeeze %dma_start3A : memref<1x640xf32, #tpu.memory_space<hbm>> -> memref<640xf32, #tpu.memory_space<hbm>>
      %dma_start3A_22 = tpu.memref_slice %arg4[%mul3A_20] : memref<10240xf32, #tpu.memory_space<vmem_shared>> -> memref<640xf32, #tpu.memory_space<vmem_shared>>
      tpu.enqueue_dma source(%dma_start3A_22 : memref<640xf32, #tpu.memory_space<vmem_shared>>) target(%dma_start3A_21 : memref<640xf32, #tpu.memory_space<hbm>>) target_semaphore(%run_scoped3A : memref<!tpu.dma_semaphore, #tpu.memory_space<semaphore_mem>>)
      %dma_wait3A = tpu.memref_slice %arg3[%arg0, %mul3A_20] : memref<2x10240xf32, #tpu.memory_space<hbm>> -> memref<1x640xf32, #tpu.memory_space<hbm>>
      %dma_wait3A_23 = tpu.memref_squeeze %dma_wait3A : memref<1x640xf32, #tpu.memory_space<hbm>> -> memref<640xf32, #tpu.memory_space<hbm>>
      %dma_wait3A_24 = tpu.memref_slice %arg4[%mul3A_20] : memref<10240xf32, #tpu.memory_space<vmem_shared>> -> memref<640xf32, #tpu.memory_space<vmem_shared>>
      tpu.wait_dma2 semaphore(%run_scoped3A : memref<!tpu.dma_semaphore, #tpu.memory_space<semaphore_mem>>) src(%dma_wait3A_24 : memref<640xf32, #tpu.memory_space<vmem_shared>>) dst(%dma_wait3A_23 : memref<640xf32, #tpu.memory_space<hbm>>)
      tpu.yield
    }) : () -> ()
    return
  }
}

#map = affine_map<(d0, d1) -> (0, 0)>
#map1 = affine_map<(d0, d1) -> (0)>
#map2 = affine_map<(d0, d1) -> (0, 0, 0)>
module attributes {stable_mosaic.version = 14 : i64} {
  func.func @_agg_body(%arg0: i32, %arg1: i32, %arg2: memref<10000x64xf32, #tpu.memory_space<hbm>>, %arg3: memref<320000xi32, #tpu.memory_space<hbm>>, %arg4: memref<320000xi32, #tpu.memory_space<hbm>>, %arg5: memref<2x10240x64xf32, #tpu.memory_space<hbm>>, %arg6: memref<10240x64xf32, #tpu.memory_space<vmem_shared>>, %arg7: memref<80xi32, #tpu.memory_space<vmem>>, %arg8: memref<80xi32, #tpu.memory_space<vmem>>, %arg9: memref<80x64xf32, #tpu.memory_space<vmem>>, %arg10: memref<128x64xf32, #tpu.memory_space<vmem>>, %arg11: memref<!tpu.dma_semaphore, #tpu.memory_space<semaphore_mem>>) attributes {dimension_semantics = [#tpu.dimension_semantics<core_parallel>, #tpu.dimension_semantics<subcore_parallel>], iteration_bounds = array<i64: 2, 16>, scalar_prefetch = 0 : i64, scratch_operands = 6 : i64, tpu.core_type = #tpu.core_type<sc_vector_subcore>, window_params = [{transform_indices = #map}, {transform_indices = #map1}, {transform_indices = #map1}, {transform_indices = #map2}]} {
    %mul3A = arith.constant 16 : i32
    %mul3A_0 = arith.muli %arg0, %mul3A : i32
    %add3A = arith.addi %mul3A_0, %arg1 : i32
    %scan3A = arith.constant 0 : i32
    %scan3A_1 = arith.constant 0 : i32
    %scan3A_2 = arith.constant 512 : i32
    %scan3A_3 = arith.addi %scan3A_1, %scan3A_2 : i32
    %scan3A_4 = arith.constant 1 : i32
    %scan3A_5 = scf.for %scan3A_39 = %scan3A_1 to %scan3A_3 step %scan3A_4 iter_args(%scan3A_40 = %scan3A) -> (i32)  : i32 {
      %broadcast_in_dim3A = arith.constant 0.000000e+00 : f32
      %broadcast_in_dim3A_41 = vector.broadcast %broadcast_in_dim3A : f32 to vector<16xf32>
      %jit3A = arith.constant 4 : i32
      %div3A = arith.divsi %scan3A_39, %jit3A : i32
      %sign3A = arith.constant 0 : i32
      %sign3A_42 = arith.cmpi sgt, %scan3A_39, %sign3A : i32
      %sign3A_43 = arith.extui %sign3A_42 : i1 to i32
      %sign3A_44 = arith.constant 0 : i32
      %sign3A_45 = arith.cmpi slt, %scan3A_39, %sign3A_44 : i32
      %sign3A_46 = arith.extui %sign3A_45 : i1 to i32
      %sign3A_47 = arith.subi %sign3A_43, %sign3A_46 : i32
      %sign3A_48 = arith.constant 0 : i32
      %sign3A_49 = arith.cmpi sgt, %jit3A, %sign3A_48 : i32
      %sign3A_50 = arith.extui %sign3A_49 : i1 to i32
      %sign3A_51 = arith.constant 0 : i32
      %sign3A_52 = arith.cmpi slt, %jit3A, %sign3A_51 : i32
      %sign3A_53 = arith.extui %sign3A_52 : i1 to i32
      %sign3A_54 = arith.subi %sign3A_50, %sign3A_53 : i32
      %ne3A = arith.cmpi ne, %sign3A_47, %sign3A_54 : i32
      %rem3A = arith.remsi %scan3A_39, %jit3A : i32
      %ne3A_55 = arith.constant 0 : i32
      %ne3A_56 = arith.cmpi ne, %rem3A, %ne3A_55 : i32
      %and3A = arith.andi %ne3A, %ne3A_56 : i1
      %sub3A = arith.constant 1 : i32
      %sub3A_57 = arith.subi %div3A, %sub3A : i32
      %select_n3A = arith.select %and3A, %sub3A_57, %div3A : i32
      %jit3A_58 = arith.constant 4 : i32
      %eq3A = arith.constant 0 : i32
      %eq3A_59 = arith.cmpi eq, %jit3A_58, %eq3A : i32
      %jit3A_60 = arith.constant 1 : i32
      %select_n3A_61 = arith.select %eq3A_59, %jit3A_60, %jit3A_58 : i32
      %rem3A_62 = arith.remsi %scan3A_39, %select_n3A_61 : i32
      %ne3A_63 = arith.constant 0 : i32
      %ne3A_64 = arith.cmpi ne, %rem3A_62, %ne3A_63 : i32
      %lt3A = arith.constant 0 : i32
      %lt3A_65 = arith.cmpi slt, %rem3A_62, %lt3A : i32
      %lt3A_66 = arith.constant 0 : i32
      %lt3A_67 = arith.cmpi slt, %select_n3A_61, %lt3A_66 : i32
      %ne3A_68 = arith.xori %lt3A_65, %lt3A_67 : i1
      %and3A_69 = arith.andi %ne3A_68, %ne3A_64 : i1
      %add3A_70 = arith.addi %rem3A_62, %select_n3A_61 : i32
      %select_n3A_71 = arith.select %and3A_69, %add3A_70, %rem3A_62 : i32
      %mul3A_72 = arith.constant 16 : i32
      %mul3A_73 = arith.muli %select_n3A_71, %mul3A_72 : i32
      %swap3A = arith.index_cast %select_n3A : i32 to index
      %swap3A_74 = arith.index_cast %mul3A_73 : i32 to index
      %swap3A_75 = tpu.vector_load %arg10[%swap3A, %swap3A_74] {strides = array<i32>} : memref<128x64xf32, #tpu.memory_space<vmem>>, vector<1x16xf32>,
      %swap3A_76 = vector.shape_cast %swap3A_75 : vector<1x16xf32> to vector<16xf32>
      %swap3A_77 = vector.shape_cast %broadcast_in_dim3A_41 : vector<16xf32> to vector<1x16xf32>
      tpu.vector_store %arg10[%swap3A, %swap3A_74], %swap3A_77 {strides = array<i32>} : memref<128x64xf32, #tpu.memory_space<vmem>>, vector<1x16xf32>,
      %scan3A_78 = arith.constant 0 : i32
      scf.yield %scan3A_78 : i32
    }
    %scan3A_6 = arith.constant 512 : i32
    %mul3A_7 = arith.constant 640 : i32
    %mul3A_8 = arith.muli %arg1, %mul3A_7 : i32
    %add3A_9 = arith.constant 0 : i32
    %add3A_10 = arith.addi %mul3A_8, %add3A_9 : i32
    "tpu.region"() ({
      %run_scoped3A = tpu.sem_alloc : memref<!tpu.dma_semaphore, #tpu.memory_space<semaphore_mem>>
      %dma_start3A = arith.constant 0 : i32
      %dma_start3A_39 = tpu.memref_slice %arg6[%add3A_10, %dma_start3A] : memref<10240x64xf32, #tpu.memory_space<vmem_shared>> -> memref<128x64xf32, #tpu.memory_space<vmem_shared>>
      %dma_start3A_40 = arith.constant 0 : i32
      %dma_start3A_41 = tpu.memref_slice %arg6[%add3A_10, %dma_start3A_40] : memref<10240x64xf32, #tpu.memory_space<vmem_shared>> -> memref<128x64xf32, #tpu.memory_space<vmem_shared>>
      tpu.enqueue_dma source(%arg10 : memref<128x64xf32, #tpu.memory_space<vmem>>) target(%dma_start3A_41 : memref<128x64xf32, #tpu.memory_space<vmem_shared>>) target_semaphore(%run_scoped3A : memref<!tpu.dma_semaphore, #tpu.memory_space<semaphore_mem>>)
      %dma_wait3A = arith.constant 0 : i32
      %dma_wait3A_42 = tpu.memref_slice %arg6[%add3A_10, %dma_wait3A] : memref<10240x64xf32, #tpu.memory_space<vmem_shared>> -> memref<128x64xf32, #tpu.memory_space<vmem_shared>>
      %dma_wait3A_43 = arith.constant 0 : i32
      %dma_wait3A_44 = tpu.memref_slice %arg6[%add3A_10, %dma_wait3A_43] : memref<10240x64xf32, #tpu.memory_space<vmem_shared>> -> memref<128x64xf32, #tpu.memory_space<vmem_shared>>
      tpu.wait_dma2 semaphore(%run_scoped3A : memref<!tpu.dma_semaphore, #tpu.memory_space<semaphore_mem>>) src(%arg10 : memref<128x64xf32, #tpu.memory_space<vmem>>) dst(%dma_wait3A_44 : memref<128x64xf32, #tpu.memory_space<vmem_shared>>)
      tpu.yield
    }) : () -> ()
    %mul3A_11 = arith.constant 640 : i32
    %mul3A_12 = arith.muli %arg1, %mul3A_11 : i32
    %add3A_13 = arith.constant 128 : i32
    %add3A_14 = arith.addi %mul3A_12, %add3A_13 : i32
    "tpu.region"() ({
      %run_scoped3A = tpu.sem_alloc : memref<!tpu.dma_semaphore, #tpu.memory_space<semaphore_mem>>
      %dma_start3A = arith.constant 0 : i32
      %dma_start3A_39 = tpu.memref_slice %arg6[%add3A_14, %dma_start3A] : memref<10240x64xf32, #tpu.memory_space<vmem_shared>> -> memref<128x64xf32, #tpu.memory_space<vmem_shared>>
      %dma_start3A_40 = arith.constant 0 : i32
      %dma_start3A_41 = tpu.memref_slice %arg6[%add3A_14, %dma_start3A_40] : memref<10240x64xf32, #tpu.memory_space<vmem_shared>> -> memref<128x64xf32, #tpu.memory_space<vmem_shared>>
      tpu.enqueue_dma source(%arg10 : memref<128x64xf32, #tpu.memory_space<vmem>>) target(%dma_start3A_41 : memref<128x64xf32, #tpu.memory_space<vmem_shared>>) target_semaphore(%run_scoped3A : memref<!tpu.dma_semaphore, #tpu.memory_space<semaphore_mem>>)
      %dma_wait3A = arith.constant 0 : i32
      %dma_wait3A_42 = tpu.memref_slice %arg6[%add3A_14, %dma_wait3A] : memref<10240x64xf32, #tpu.memory_space<vmem_shared>> -> memref<128x64xf32, #tpu.memory_space<vmem_shared>>
      %dma_wait3A_43 = arith.constant 0 : i32
      %dma_wait3A_44 = tpu.memref_slice %arg6[%add3A_14, %dma_wait3A_43] : memref<10240x64xf32, #tpu.memory_space<vmem_shared>> -> memref<128x64xf32, #tpu.memory_space<vmem_shared>>
      tpu.wait_dma2 semaphore(%run_scoped3A : memref<!tpu.dma_semaphore, #tpu.memory_space<semaphore_mem>>) src(%arg10 : memref<128x64xf32, #tpu.memory_space<vmem>>) dst(%dma_wait3A_44 : memref<128x64xf32, #tpu.memory_space<vmem_shared>>)
      tpu.yield
    }) : () -> ()
    %mul3A_15 = arith.constant 640 : i32
    %mul3A_16 = arith.muli %arg1, %mul3A_15 : i32
    %add3A_17 = arith.constant 256 : i32
    %add3A_18 = arith.addi %mul3A_16, %add3A_17 : i32
    "tpu.region"() ({
      %run_scoped3A = tpu.sem_alloc : memref<!tpu.dma_semaphore, #tpu.memory_space<semaphore_mem>>
      %dma_start3A = arith.constant 0 : i32
      %dma_start3A_39 = tpu.memref_slice %arg6[%add3A_18, %dma_start3A] : memref<10240x64xf32, #tpu.memory_space<vmem_shared>> -> memref<128x64xf32, #tpu.memory_space<vmem_shared>>
      %dma_start3A_40 = arith.constant 0 : i32
      %dma_start3A_41 = tpu.memref_slice %arg6[%add3A_18, %dma_start3A_40] : memref<10240x64xf32, #tpu.memory_space<vmem_shared>> -> memref<128x64xf32, #tpu.memory_space<vmem_shared>>
      tpu.enqueue_dma source(%arg10 : memref<128x64xf32, #tpu.memory_space<vmem>>) target(%dma_start3A_41 : memref<128x64xf32, #tpu.memory_space<vmem_shared>>) target_semaphore(%run_scoped3A : memref<!tpu.dma_semaphore, #tpu.memory_space<semaphore_mem>>)
      %dma_wait3A = arith.constant 0 : i32
      %dma_wait3A_42 = tpu.memref_slice %arg6[%add3A_18, %dma_wait3A] : memref<10240x64xf32, #tpu.memory_space<vmem_shared>> -> memref<128x64xf32, #tpu.memory_space<vmem_shared>>
      %dma_wait3A_43 = arith.constant 0 : i32
      %dma_wait3A_44 = tpu.memref_slice %arg6[%add3A_18, %dma_wait3A_43] : memref<10240x64xf32, #tpu.memory_space<vmem_shared>> -> memref<128x64xf32, #tpu.memory_space<vmem_shared>>
      tpu.wait_dma2 semaphore(%run_scoped3A : memref<!tpu.dma_semaphore, #tpu.memory_space<semaphore_mem>>) src(%arg10 : memref<128x64xf32, #tpu.memory_space<vmem>>) dst(%dma_wait3A_44 : memref<128x64xf32, #tpu.memory_space<vmem_shared>>)
      tpu.yield
    }) : () -> ()
    %mul3A_19 = arith.constant 640 : i32
    %mul3A_20 = arith.muli %arg1, %mul3A_19 : i32
    %add3A_21 = arith.constant 384 : i32
    %add3A_22 = arith.addi %mul3A_20, %add3A_21 : i32
    "tpu.region"() ({
      %run_scoped3A = tpu.sem_alloc : memref<!tpu.dma_semaphore, #tpu.memory_space<semaphore_mem>>
      %dma_start3A = arith.constant 0 : i32
      %dma_start3A_39 = tpu.memref_slice %arg6[%add3A_22, %dma_start3A] : memref<10240x64xf32, #tpu.memory_space<vmem_shared>> -> memref<128x64xf32, #tpu.memory_space<vmem_shared>>
      %dma_start3A_40 = arith.constant 0 : i32
      %dma_start3A_41 = tpu.memref_slice %arg6[%add3A_22, %dma_start3A_40] : memref<10240x64xf32, #tpu.memory_space<vmem_shared>> -> memref<128x64xf32, #tpu.memory_space<vmem_shared>>
      tpu.enqueue_dma source(%arg10 : memref<128x64xf32, #tpu.memory_space<vmem>>) target(%dma_start3A_41 : memref<128x64xf32, #tpu.memory_space<vmem_shared>>) target_semaphore(%run_scoped3A : memref<!tpu.dma_semaphore, #tpu.memory_space<semaphore_mem>>)
      %dma_wait3A = arith.constant 0 : i32
      %dma_wait3A_42 = tpu.memref_slice %arg6[%add3A_22, %dma_wait3A] : memref<10240x64xf32, #tpu.memory_space<vmem_shared>> -> memref<128x64xf32, #tpu.memory_space<vmem_shared>>
      %dma_wait3A_43 = arith.constant 0 : i32
      %dma_wait3A_44 = tpu.memref_slice %arg6[%add3A_22, %dma_wait3A_43] : memref<10240x64xf32, #tpu.memory_space<vmem_shared>> -> memref<128x64xf32, #tpu.memory_space<vmem_shared>>
      tpu.wait_dma2 semaphore(%run_scoped3A : memref<!tpu.dma_semaphore, #tpu.memory_space<semaphore_mem>>) src(%arg10 : memref<128x64xf32, #tpu.memory_space<vmem>>) dst(%dma_wait3A_44 : memref<128x64xf32, #tpu.memory_space<vmem_shared>>)
      tpu.yield
    }) : () -> ()
    %mul3A_23 = arith.constant 640 : i32
    %mul3A_24 = arith.muli %arg1, %mul3A_23 : i32
    %add3A_25 = arith.constant 512 : i32
    %add3A_26 = arith.addi %mul3A_24, %add3A_25 : i32
    "tpu.region"() ({
      %run_scoped3A = tpu.sem_alloc : memref<!tpu.dma_semaphore, #tpu.memory_space<semaphore_mem>>
      %dma_start3A = arith.constant 0 : i32
      %dma_start3A_39 = tpu.memref_slice %arg6[%add3A_26, %dma_start3A] : memref<10240x64xf32, #tpu.memory_space<vmem_shared>> -> memref<128x64xf32, #tpu.memory_space<vmem_shared>>
      %dma_start3A_40 = arith.constant 0 : i32
      %dma_start3A_41 = tpu.memref_slice %arg6[%add3A_26, %dma_start3A_40] : memref<10240x64xf32, #tpu.memory_space<vmem_shared>> -> memref<128x64xf32, #tpu.memory_space<vmem_shared>>
      tpu.enqueue_dma source(%arg10 : memref<128x64xf32, #tpu.memory_space<vmem>>) target(%dma_start3A_41 : memref<128x64xf32, #tpu.memory_space<vmem_shared>>) target_semaphore(%run_scoped3A : memref<!tpu.dma_semaphore, #tpu.memory_space<semaphore_mem>>)
      %dma_wait3A = arith.constant 0 : i32
      %dma_wait3A_42 = tpu.memref_slice %arg6[%add3A_26, %dma_wait3A] : memref<10240x64xf32, #tpu.memory_space<vmem_shared>> -> memref<128x64xf32, #tpu.memory_space<vmem_shared>>
      %dma_wait3A_43 = arith.constant 0 : i32
      %dma_wait3A_44 = tpu.memref_slice %arg6[%add3A_26, %dma_wait3A_43] : memref<10240x64xf32, #tpu.memory_space<vmem_shared>> -> memref<128x64xf32, #tpu.memory_space<vmem_shared>>
      tpu.wait_dma2 semaphore(%run_scoped3A : memref<!tpu.dma_semaphore, #tpu.memory_space<semaphore_mem>>) src(%arg10 : memref<128x64xf32, #tpu.memory_space<vmem>>) dst(%dma_wait3A_44 : memref<128x64xf32, #tpu.memory_space<vmem_shared>>)
      tpu.yield
    }) : () -> ()
    %barrier3A = arith.constant 0 : index
    tpu.barrier barrier_id(%barrier3A)
    %mul3A_27 = arith.constant 10000 : i32
    %mul3A_28 = arith.muli %add3A, %mul3A_27 : i32
    %scan3A_29 = arith.constant 0 : i32
    %scan3A_30 = arith.constant 0 : i32
    %scan3A_31 = arith.constant 125 : i32
    %scan3A_32 = arith.addi %scan3A_30, %scan3A_31 : i32
    %scan3A_33 = arith.constant 1 : i32
    %scan3A_34 = scf.for %scan3A_39 = %scan3A_30 to %scan3A_32 step %scan3A_33 iter_args(%scan3A_40 = %scan3A_29) -> (i32)  : i32 {
      %mul3A_41 = arith.constant 80 : i32
      %mul3A_42 = arith.muli %scan3A_39, %mul3A_41 : i32
      %add3A_43 = arith.addi %mul3A_28, %mul3A_42 : i32
      %multiple_of3A = tpu.assume_multiple %add3A_43, 8 : i32
      "tpu.region"() ({
        %run_scoped3A = tpu.sem_alloc : memref<!tpu.dma_semaphore, #tpu.memory_space<semaphore_mem>>
        %dma_start3A_49 = tpu.memref_slice %arg3[%multiple_of3A] : memref<320000xi32, #tpu.memory_space<hbm>> -> memref<80xi32, #tpu.memory_space<hbm>>
        %dma_start3A_50 = tpu.memref_slice %arg3[%multiple_of3A] : memref<320000xi32, #tpu.memory_space<hbm>> -> memref<80xi32, #tpu.memory_space<hbm>>
        tpu.enqueue_dma source(%dma_start3A_50 : memref<80xi32, #tpu.memory_space<hbm>>) target(%arg7 : memref<80xi32, #tpu.memory_space<vmem>>) target_semaphore(%run_scoped3A : memref<!tpu.dma_semaphore, #tpu.memory_space<semaphore_mem>>)
        %dma_wait3A_51 = tpu.memref_slice %arg3[%multiple_of3A] : memref<320000xi32, #tpu.memory_space<hbm>> -> memref<80xi32, #tpu.memory_space<hbm>>
        %dma_wait3A_52 = tpu.memref_slice %arg3[%multiple_of3A] : memref<320000xi32, #tpu.memory_space<hbm>> -> memref<80xi32, #tpu.memory_space<hbm>>
        tpu.wait_dma2 semaphore(%run_scoped3A : memref<!tpu.dma_semaphore, #tpu.memory_space<semaphore_mem>>) src(%dma_wait3A_52 : memref<80xi32, #tpu.memory_space<hbm>>) dst(%arg7 : memref<80xi32, #tpu.memory_space<vmem>>)
        tpu.yield
      }) : () -> ()
      "tpu.region"() ({
        %run_scoped3A = tpu.sem_alloc : memref<!tpu.dma_semaphore, #tpu.memory_space<semaphore_mem>>
        %dma_start3A_49 = tpu.memref_slice %arg4[%multiple_of3A] : memref<320000xi32, #tpu.memory_space<hbm>> -> memref<80xi32, #tpu.memory_space<hbm>>
        %dma_start3A_50 = tpu.memref_slice %arg4[%multiple_of3A] : memref<320000xi32, #tpu.memory_space<hbm>> -> memref<80xi32, #tpu.memory_space<hbm>>
        tpu.enqueue_dma source(%dma_start3A_50 : memref<80xi32, #tpu.memory_space<hbm>>) target(%arg8 : memref<80xi32, #tpu.memory_space<vmem>>) target_semaphore(%run_scoped3A : memref<!tpu.dma_semaphore, #tpu.memory_space<semaphore_mem>>)
        %dma_wait3A_51 = tpu.memref_slice %arg4[%multiple_of3A] : memref<320000xi32, #tpu.memory_space<hbm>> -> memref<80xi32, #tpu.memory_space<hbm>>
        %dma_wait3A_52 = tpu.memref_slice %arg4[%multiple_of3A] : memref<320000xi32, #tpu.memory_space<hbm>> -> memref<80xi32, #tpu.memory_space<hbm>>
        tpu.wait_dma2 semaphore(%run_scoped3A : memref<!tpu.dma_semaphore, #tpu.memory_space<semaphore_mem>>) src(%dma_wait3A_52 : memref<80xi32, #tpu.memory_space<hbm>>) dst(%arg8 : memref<80xi32, #tpu.memory_space<vmem>>)
        tpu.yield
      }) : () -> ()
      %dma_start3A = arith.constant 0 : i32
      %dma_start3A_44 = arith.constant 0 : i32
      %dma_start3A_45 = tpu.memref_slice %arg2[%dma_start3A, %dma_start3A_44] : memref<10000x64xf32, #tpu.memory_space<hbm>> -> memref<10000x64xf32, #tpu.memory_space<hbm>>
      tpu.enqueue_indirect_dma source(%dma_start3A_45 : memref<10000x64xf32, #tpu.memory_space<hbm>>) target(%arg9 : memref<80x64xf32, #tpu.memory_space<vmem>>) offsets(%arg7 : memref<80xi32, #tpu.memory_space<vmem>>) semaphore(%arg11 : memref<!tpu.dma_semaphore, #tpu.memory_space<semaphore_mem>>)
      %dma_wait3A = arith.constant 0 : i32
      %dma_wait3A_46 = arith.constant 0 : i32
      %dma_wait3A_47 = tpu.memref_slice %arg2[%dma_wait3A, %dma_wait3A_46] : memref<10000x64xf32, #tpu.memory_space<hbm>> -> memref<10000x64xf32, #tpu.memory_space<hbm>>
      tpu.wait_indirect_dma semaphore(%arg11 : memref<!tpu.dma_semaphore, #tpu.memory_space<semaphore_mem>>) src(%dma_wait3A_47 : memref<10000x64xf32, #tpu.memory_space<hbm>>) dst(%arg9 : memref<80x64xf32, #tpu.memory_space<vmem>>)
      "tpu.region"() ({
        %run_scoped3A = tpu.sem_alloc : memref<!tpu.dma_semaphore, #tpu.memory_space<semaphore_mem>>
        %dma_start3A_49 = arith.constant 0 : i32
        %dma_start3A_50 = arith.constant 0 : i32
        %dma_start3A_51 = tpu.memref_slice %arg6[%dma_start3A_49, %dma_start3A_50] : memref<10240x64xf32, #tpu.memory_space<vmem_shared>> -> memref<10240x64xf32, #tpu.memory_space<vmem_shared>>
        tpu.enqueue_indirect_dma source(%arg9 : memref<80x64xf32, #tpu.memory_space<vmem>>) target(%dma_start3A_51 : memref<10240x64xf32, #tpu.memory_space<vmem_shared>>) offsets(%arg8 : memref<80xi32, #tpu.memory_space<vmem>>) semaphore(%run_scoped3A : memref<!tpu.dma_semaphore, #tpu.memory_space<semaphore_mem>>) {add = true}
        %dma_wait3A_52 = arith.constant 0 : i32
        %dma_wait3A_53 = arith.constant 0 : i32
        %dma_wait3A_54 = tpu.memref_slice %arg6[%dma_wait3A_52, %dma_wait3A_53] : memref<10240x64xf32, #tpu.memory_space<vmem_shared>> -> memref<10240x64xf32, #tpu.memory_space<vmem_shared>>
        tpu.wait_indirect_dma semaphore(%run_scoped3A : memref<!tpu.dma_semaphore, #tpu.memory_space<semaphore_mem>>) src(%arg9 : memref<80x64xf32, #tpu.memory_space<vmem>>) dst(%dma_wait3A_54 : memref<10240x64xf32, #tpu.memory_space<vmem_shared>>)
        tpu.yield
      }) : () -> ()
      %scan3A_48 = arith.constant 0 : i32
      scf.yield %scan3A_48 : i32
    }
    %scan3A_35 = arith.constant 125 : i32
    %barrier3A_36 = arith.constant 0 : index
    tpu.barrier barrier_id(%barrier3A_36)
    %mul3A_37 = arith.constant 640 : i32
    %mul3A_38 = arith.muli %arg1, %mul3A_37 : i32
    "tpu.region"() ({
      %run_scoped3A = tpu.sem_alloc : memref<!tpu.dma_semaphore, #tpu.memory_space<semaphore_mem>>
      %dma_start3A = arith.constant 0 : i32
      %dma_start3A_39 = tpu.memref_slice %arg5[%arg0, %mul3A_38, %dma_start3A] : memref<2x10240x64xf32, #tpu.memory_space<hbm>> -> memref<1x640x64xf32, #tpu.memory_space<hbm>>
      %dma_start3A_40 = tpu.memref_squeeze %dma_start3A_39 : memref<1x640x64xf32, #tpu.memory_space<hbm>> -> memref<640x64xf32, #tpu.memory_space<hbm>>
      %dma_start3A_41 = arith.constant 0 : i32
      %dma_start3A_42 = tpu.memref_slice %arg6[%mul3A_38, %dma_start3A_41] : memref<10240x64xf32, #tpu.memory_space<vmem_shared>> -> memref<640x64xf32, #tpu.memory_space<vmem_shared>>
      tpu.enqueue_dma source(%dma_start3A_42 : memref<640x64xf32, #tpu.memory_space<vmem_shared>>) target(%dma_start3A_40 : memref<640x64xf32, #tpu.memory_space<hbm>>) target_semaphore(%run_scoped3A : memref<!tpu.dma_semaphore, #tpu.memory_space<semaphore_mem>>)
      %dma_wait3A = arith.constant 0 : i32
      %dma_wait3A_43 = tpu.memref_slice %arg5[%arg0, %mul3A_38, %dma_wait3A] : memref<2x10240x64xf32, #tpu.memory_space<hbm>> -> memref<1x640x64xf32, #tpu.memory_space<hbm>>
      %dma_wait3A_44 = tpu.memref_squeeze %dma_wait3A_43 : memref<1x640x64xf32, #tpu.memory_space<hbm>> -> memref<640x64xf32, #tpu.memory_space<hbm>>
      %dma_wait3A_45 = arith.constant 0 : i32
      %dma_wait3A_46 = tpu.memref_slice %arg6[%mul3A_38, %dma_wait3A_45] : memref<10240x64xf32, #tpu.memory_space<vmem_shared>> -> memref<640x64xf32, #tpu.memory_space<vmem_shared>>
      tpu.wait_dma2 semaphore(%run_scoped3A : memref<!tpu.dma_semaphore, #tpu.memory_space<semaphore_mem>>) src(%dma_wait3A_46 : memref<640x64xf32, #tpu.memory_space<vmem_shared>>) dst(%dma_wait3A_44 : memref<640x64xf32, #tpu.memory_space<hbm>>)
      tpu.yield
    }) : () -> ()
    return
  }
}

module attributes {stable_mosaic.version = 14 : i64} {
  func.func @_mm_scale_body(%arg0: i32, %arg1: memref<1000x128xf32, #tpu.memory_space<vmem>>, %arg2: memref<128x64xf32, #tpu.memory_space<vmem>>, %arg3: memref<1000x1xf32, #tpu.memory_space<vmem>>, %arg4: memref<1000x64xf32, #tpu.memory_space<vmem>>, %arg5: memref<1000x64xf32, #tpu.memory_space<vmem>>) attributes {dimension_semantics = [#tpu.dimension_semantics<arbitrary>], iteration_bounds = array<i64: 10>, scalar_prefetch = 0 : i64, scratch_operands = 0 : i64, tpu.core_type = #tpu.core_type<tc>, window_params = [{transform_indices = @transform_0, window_bounds = array<i64: 1000, 128>}, {pipeline_mode = #tpu.pipeline_mode<synchronous>, transform_indices = @transform_1, window_bounds = array<i64: 128, 64>}, {transform_indices = @transform_2, window_bounds = array<i64: 1000, 1>}, {transform_indices = @transform_3, window_bounds = array<i64: 1000, 64>}, {transform_indices = @transform_4, window_bounds = array<i64: 1000, 64>}]} {
    %get3A = arith.constant 0 : index
    %get3A_0 = arith.constant 0 : index
    %get3A_1 = vector.load %arg1[%get3A, %get3A_0] : memref<1000x128xf32, #tpu.memory_space<vmem>>, vector<1000x128xf32>
    %get3A_2 = arith.constant 0 : index
    %get3A_3 = arith.constant 0 : index
    %get3A_4 = vector.load %arg2[%get3A_2, %get3A_3] : memref<128x64xf32, #tpu.memory_space<vmem>>, vector<128x64xf32>
    %dot_general3A = arith.constant dense<0.000000e+00> : vector<1000x64xf32>
    %dot_general3A_5 = tpu.matmul %get3A_1, %get3A_4, %dot_general3A {dimension_numbers = #tpu.dot_dimension_numbers<[1], [0], [0], [1], [0, 0, 1, 1], [], []>, transpose_lhs_hint = false} : vector<1000x128xf32>, vector<128x64xf32>, vector<1000x64xf32> -> vector<1000x64xf32>
    %swap3A = arith.constant 0 : index
    %swap3A_6 = arith.constant 0 : index
    %swap3A_7 = vector.load %arg4[%swap3A, %swap3A_6] : memref<1000x64xf32, #tpu.memory_space<vmem>>, vector<1000x64xf32>
    tpu.vector_store %arg4[%swap3A, %swap3A_6], %dot_general3A_5 {strides = array<i32>} : memref<1000x64xf32, #tpu.memory_space<vmem>>, vector<1000x64xf32>,
    %get3A_8 = arith.constant 0 : index
    %get3A_9 = arith.constant 0 : index
    %get3A_10 = vector.load %arg3[%get3A_8, %get3A_9] : memref<1000x1xf32, #tpu.memory_space<vmem>>, vector<1000x1xf32>
    %mul3A = vector.broadcast %get3A_10 : vector<1000x1xf32> to vector<1000x64xf32>
    %mul3A_11 = arith.mulf %dot_general3A_5, %mul3A : vector<1000x64xf32>
    %swap3A_12 = arith.constant 0 : index
    %swap3A_13 = arith.constant 0 : index
    %swap3A_14 = vector.load %arg5[%swap3A_12, %swap3A_13] : memref<1000x64xf32, #tpu.memory_space<vmem>>, vector<1000x64xf32>
    tpu.vector_store %arg5[%swap3A_12, %swap3A_13], %mul3A_11 {strides = array<i32>} : memref<1000x64xf32, #tpu.memory_space<vmem>>, vector<1000x64xf32>,
    return
  }
  func.func @transform_0(%arg0: i32) -> (i32, i32) {
    %c0_i32 = arith.constant 0 : i32
    %c0_i32_0 = arith.constant 0 : i32
    return %arg0, %c0_i32 : i32, i32
  }
  func.func @transform_1(%arg0: i32) -> (i32, i32) {
    %c0_i32 = arith.constant 0 : i32
    %c0_i32_0 = arith.constant 0 : i32
    %c0_i32_1 = arith.constant 0 : i32
    return %c0_i32, %c0_i32_0 : i32, i32
  }
  func.func @transform_2(%arg0: i32) -> (i32, i32) {
    %c0_i32 = arith.constant 0 : i32
    %c0_i32_0 = arith.constant 0 : i32
    return %arg0, %c0_i32 : i32, i32
  }
  func.func @transform_3(%arg0: i32) -> (i32, i32) {
    %c0_i32 = arith.constant 0 : i32
    %c0_i32_0 = arith.constant 0 : i32
    return %arg0, %c0_i32 : i32, i32
  }
  func.func @transform_4(%arg0: i32) -> (i32, i32) {
    %c0_i32 = arith.constant 0 : i32
    %c0_i32_0 = arith.constant 0 : i32
    return %arg0, %c0_i32 : i32, i32
  }
}

module attributes {stable_mosaic.version = 14 : i64} {
  func.func @_layer1_post_body(%arg0: i32, %arg1: memref<2x1000x64xf32, #tpu.memory_space<vmem>>, %arg2: memref<1000x64xf32, #tpu.memory_space<vmem>>, %arg3: memref<1000x1xf32, #tpu.memory_space<vmem>>, %arg4: memref<1x64xf32, #tpu.memory_space<vmem>>, %arg5: memref<1000x64xf32, #tpu.memory_space<vmem>>, %arg6: memref<1000x64xf32, #tpu.memory_space<vmem>>) attributes {dimension_semantics = [#tpu.dimension_semantics<arbitrary>], iteration_bounds = array<i64: 10>, scalar_prefetch = 0 : i64, scratch_operands = 0 : i64, tpu.core_type = #tpu.core_type<tc>, window_params = [{transform_indices = @transform_0, window_bounds = array<i64: 2, 1000, 64>}, {transform_indices = @transform_1, window_bounds = array<i64: 1000, 64>}, {transform_indices = @transform_2, window_bounds = array<i64: 1000, 1>}, {pipeline_mode = #tpu.pipeline_mode<synchronous>, transform_indices = @transform_3, window_bounds = array<i64: 1, 64>}, {transform_indices = @transform_4, window_bounds = array<i64: 1000, 64>}, {transform_indices = @transform_5, window_bounds = array<i64: 1000, 64>}]} {
    %get3A = arith.constant 0 : index
    %get3A_0 = arith.constant 0 : index
    %get3A_1 = vector.load %arg3[%get3A, %get3A_0] : memref<1000x1xf32, #tpu.memory_space<vmem>>, vector<1000x1xf32>
    %get3A_2 = arith.constant 0 : index
    %get3A_3 = arith.constant 0 : index
    %get3A_4 = arith.constant 0 : index
    %get3A_5 = vector.load %arg1[%get3A_2, %get3A_3, %get3A_4] : memref<2x1000x64xf32, #tpu.memory_space<vmem>>, vector<1x1000x64xf32>
    %get3A_6 = vector.shape_cast %get3A_5 : vector<1x1000x64xf32> to vector<1000x64xf32>
    %get3A_7 = arith.constant 1 : index
    %get3A_8 = arith.constant 0 : index
    %get3A_9 = arith.constant 0 : index
    %get3A_10 = vector.load %arg1[%get3A_7, %get3A_8, %get3A_9] : memref<2x1000x64xf32, #tpu.memory_space<vmem>>, vector<1x1000x64xf32>
    %get3A_11 = vector.shape_cast %get3A_10 : vector<1x1000x64xf32> to vector<1000x64xf32>
    %add3A = arith.addf %get3A_6, %get3A_11 : vector<1000x64xf32>
    %mul3A = vector.broadcast %get3A_1 : vector<1000x1xf32> to vector<1000x64xf32>
    %mul3A_12 = arith.mulf %mul3A, %add3A : vector<1000x64xf32>
    %mul3A_13 = arith.mulf %get3A_1, %get3A_1 : vector<1000x1xf32>
    %get3A_14 = arith.constant 0 : index
    %get3A_15 = arith.constant 0 : index
    %get3A_16 = vector.load %arg2[%get3A_14, %get3A_15] : memref<1000x64xf32, #tpu.memory_space<vmem>>, vector<1000x64xf32>
    %mul3A_17 = vector.broadcast %mul3A_13 : vector<1000x1xf32> to vector<1000x64xf32>
    %mul3A_18 = arith.mulf %mul3A_17, %get3A_16 : vector<1000x64xf32>
    %add3A_19 = arith.addf %mul3A_12, %mul3A_18 : vector<1000x64xf32>
    %get3A_20 = arith.constant 0 : index
    %get3A_21 = arith.constant 0 : index
    %get3A_22 = vector.load %arg4[%get3A_20, %get3A_21] : memref<1x64xf32, #tpu.memory_space<vmem>>, vector<1x64xf32>
    %add3A_23 = vector.broadcast %get3A_22 : vector<1x64xf32> to vector<1000x64xf32>
    %add3A_24 = arith.addf %add3A_19, %add3A_23 : vector<1000x64xf32>
    %max3A = arith.constant 0.000000e+00 : f32
    %max3A_25 = vector.broadcast %max3A : f32 to vector<1000x64xf32>
    %max3A_26 = arith.maximumf %add3A_24, %max3A_25 : vector<1000x64xf32>
    %swap3A = arith.constant 0 : index
    %swap3A_27 = arith.constant 0 : index
    %swap3A_28 = vector.load %arg5[%swap3A, %swap3A_27] : memref<1000x64xf32, #tpu.memory_space<vmem>>, vector<1000x64xf32>
    tpu.vector_store %arg5[%swap3A, %swap3A_27], %max3A_26 {strides = array<i32>} : memref<1000x64xf32, #tpu.memory_space<vmem>>, vector<1000x64xf32>,
    %mul3A_29 = vector.broadcast %get3A_1 : vector<1000x1xf32> to vector<1000x64xf32>
    %mul3A_30 = arith.mulf %max3A_26, %mul3A_29 : vector<1000x64xf32>
    %swap3A_31 = arith.constant 0 : index
    %swap3A_32 = arith.constant 0 : index
    %swap3A_33 = vector.load %arg6[%swap3A_31, %swap3A_32] : memref<1000x64xf32, #tpu.memory_space<vmem>>, vector<1000x64xf32>
    tpu.vector_store %arg6[%swap3A_31, %swap3A_32], %mul3A_30 {strides = array<i32>} : memref<1000x64xf32, #tpu.memory_space<vmem>>, vector<1000x64xf32>,
    return
  }
  func.func @transform_0(%arg0: i32) -> (i32, i32, i32) {
    %c0_i32 = arith.constant 0 : i32
    %c0_i32_0 = arith.constant 0 : i32
    %c0_i32_1 = arith.constant 0 : i32
    return %c0_i32, %arg0, %c0_i32_0 : i32, i32, i32
  }
  func.func @transform_1(%arg0: i32) -> (i32, i32) {
    %c0_i32 = arith.constant 0 : i32
    %c0_i32_0 = arith.constant 0 : i32
    return %arg0, %c0_i32 : i32, i32
  }
  func.func @transform_2(%arg0: i32) -> (i32, i32) {
    %c0_i32 = arith.constant 0 : i32
    %c0_i32_0 = arith.constant 0 : i32
    return %arg0, %c0_i32 : i32, i32
  }
  func.func @transform_3(%arg0: i32) -> (i32, i32) {
    %c0_i32 = arith.constant 0 : i32
    %c0_i32_0 = arith.constant 0 : i32
    %c0_i32_1 = arith.constant 0 : i32
    return %c0_i32, %c0_i32_0 : i32, i32
  }
  func.func @transform_4(%arg0: i32) -> (i32, i32) {
    %c0_i32 = arith.constant 0 : i32
    %c0_i32_0 = arith.constant 0 : i32
    return %arg0, %c0_i32 : i32, i32
  }
  func.func @transform_5(%arg0: i32) -> (i32, i32) {
    %c0_i32 = arith.constant 0 : i32
    %c0_i32_0 = arith.constant 0 : i32
    return %arg0, %c0_i32 : i32, i32
  }
}

module attributes {stable_mosaic.version = 14 : i64} {
  func.func @_layer2_post_body(%arg0: i32, %arg1: memref<2x1000x64xf32, #tpu.memory_space<vmem>>, %arg2: memref<1000x64xf32, #tpu.memory_space<vmem>>, %arg3: memref<1000x1xf32, #tpu.memory_space<vmem>>, %arg4: memref<64x128xf32, #tpu.memory_space<vmem>>, %arg5: memref<1x128xf32, #tpu.memory_space<vmem>>, %arg6: memref<1000x128xf32, #tpu.memory_space<vmem>>) attributes {dimension_semantics = [#tpu.dimension_semantics<arbitrary>], iteration_bounds = array<i64: 10>, scalar_prefetch = 0 : i64, scratch_operands = 0 : i64, tpu.core_type = #tpu.core_type<tc>, window_params = [{transform_indices = @transform_0, window_bounds = array<i64: 2, 1000, 64>}, {transform_indices = @transform_1, window_bounds = array<i64: 1000, 64>}, {transform_indices = @transform_2, window_bounds = array<i64: 1000, 1>}, {pipeline_mode = #tpu.pipeline_mode<synchronous>, transform_indices = @transform_3, window_bounds = array<i64: 64, 128>}, {pipeline_mode = #tpu.pipeline_mode<synchronous>, transform_indices = @transform_4, window_bounds = array<i64: 1, 128>}, {transform_indices = @transform_5, window_bounds = array<i64: 1000, 128>}]} {
    %get3A = arith.constant 0 : index
    %get3A_0 = arith.constant 0 : index
    %get3A_1 = vector.load %arg3[%get3A, %get3A_0] : memref<1000x1xf32, #tpu.memory_space<vmem>>, vector<1000x1xf32>
    %get3A_2 = arith.constant 0 : index
    %get3A_3 = arith.constant 0 : index
    %get3A_4 = arith.constant 0 : index
    %get3A_5 = vector.load %arg1[%get3A_2, %get3A_3, %get3A_4] : memref<2x1000x64xf32, #tpu.memory_space<vmem>>, vector<1x1000x64xf32>
    %get3A_6 = vector.shape_cast %get3A_5 : vector<1x1000x64xf32> to vector<1000x64xf32>
    %get3A_7 = arith.constant 1 : index
    %get3A_8 = arith.constant 0 : index
    %get3A_9 = arith.constant 0 : index
    %get3A_10 = vector.load %arg1[%get3A_7, %get3A_8, %get3A_9] : memref<2x1000x64xf32, #tpu.memory_space<vmem>>, vector<1x1000x64xf32>
    %get3A_11 = vector.shape_cast %get3A_10 : vector<1x1000x64xf32> to vector<1000x64xf32>
    %add3A = arith.addf %get3A_6, %get3A_11 : vector<1000x64xf32>
    %mul3A = vector.broadcast %get3A_1 : vector<1000x1xf32> to vector<1000x64xf32>
    %mul3A_12 = arith.mulf %mul3A, %add3A : vector<1000x64xf32>
    %mul3A_13 = arith.mulf %get3A_1, %get3A_1 : vector<1000x1xf32>
    %get3A_14 = arith.constant 0 : index
    %get3A_15 = arith.constant 0 : index
    %get3A_16 = vector.load %arg2[%get3A_14, %get3A_15] : memref<1000x64xf32, #tpu.memory_space<vmem>>, vector<1000x64xf32>
    %mul3A_17 = vector.broadcast %mul3A_13 : vector<1000x1xf32> to vector<1000x64xf32>
    %mul3A_18 = arith.mulf %mul3A_17, %get3A_16 : vector<1000x64xf32>
    %add3A_19 = arith.addf %mul3A_12, %mul3A_18 : vector<1000x64xf32>
    %get3A_20 = arith.constant 0 : index
    %get3A_21 = arith.constant 0 : index
    %get3A_22 = vector.load %arg4[%get3A_20, %get3A_21] : memref<64x128xf32, #tpu.memory_space<vmem>>, vector<64x128xf32>
    %dot_general3A = arith.constant dense<0.000000e+00> : vector<1000x128xf32>
    %dot_general3A_23 = tpu.matmul %add3A_19, %get3A_22, %dot_general3A {dimension_numbers = #tpu.dot_dimension_numbers<[1], [0], [0], [1], [0, 0, 1, 1], [], []>, transpose_lhs_hint = false} : vector<1000x64xf32>, vector<64x128xf32>, vector<1000x128xf32> -> vector<1000x128xf32>
    %get3A_24 = arith.constant 0 : index
    %get3A_25 = arith.constant 0 : index
    %get3A_26 = vector.load %arg5[%get3A_24, %get3A_25] : memref<1x128xf32, #tpu.memory_space<vmem>>, vector<1x128xf32>
    %add3A_27 = vector.broadcast %get3A_26 : vector<1x128xf32> to vector<1000x128xf32>
    %add3A_28 = arith.addf %dot_general3A_23, %add3A_27 : vector<1000x128xf32>
    %swap3A = arith.constant 0 : index
    %swap3A_29 = arith.constant 0 : index
    %swap3A_30 = vector.load %arg6[%swap3A, %swap3A_29] : memref<1000x128xf32, #tpu.memory_space<vmem>>, vector<1000x128xf32>
    tpu.vector_store %arg6[%swap3A, %swap3A_29], %add3A_28 {strides = array<i32>} : memref<1000x128xf32, #tpu.memory_space<vmem>>, vector<1000x128xf32>,
    return
  }
  func.func @transform_0(%arg0: i32) -> (i32, i32, i32) {
    %c0_i32 = arith.constant 0 : i32
    %c0_i32_0 = arith.constant 0 : i32
    %c0_i32_1 = arith.constant 0 : i32
    return %c0_i32, %arg0, %c0_i32_0 : i32, i32, i32
  }
  func.func @transform_1(%arg0: i32) -> (i32, i32) {
    %c0_i32 = arith.constant 0 : i32
    %c0_i32_0 = arith.constant 0 : i32
    return %arg0, %c0_i32 : i32, i32
  }
  func.func @transform_2(%arg0: i32) -> (i32, i32) {
    %c0_i32 = arith.constant 0 : i32
    %c0_i32_0 = arith.constant 0 : i32
    return %arg0, %c0_i32 : i32, i32
  }
  func.func @transform_3(%arg0: i32) -> (i32, i32) {
    %c0_i32 = arith.constant 0 : i32
    %c0_i32_0 = arith.constant 0 : i32
    %c0_i32_1 = arith.constant 0 : i32
    return %c0_i32, %c0_i32_0 : i32, i32
  }
  func.func @transform_4(%arg0: i32) -> (i32, i32) {
    %c0_i32 = arith.constant 0 : i32
    %c0_i32_0 = arith.constant 0 : i32
    %c0_i32_1 = arith.constant 0 : i32
    return %c0_i32, %c0_i32_0 : i32, i32
  }
  func.func @transform_5(%arg0: i32) -> (i32, i32) {
    %c0_i32 = arith.constant 0 : i32
    %c0_i32_0 = arith.constant 0 : i32
    return %arg0, %c0_i32 : i32, i32
  }
}

</mosaic_0001>

<sc_bundles>
// kernel: kernel.11.cloned.1.call-start
scs
__scs_entry_jumppad:
0x0: {  	(pc) =	sbr.rel $0x88, $3  }
0x1: {  	(tag) =	ssettag $0x0;
	lr =	simm.s32 $0x1  }
0x2: {  	[smem:$0x3F9B] =	sst lr;
	_ =	strace $0xD0000000  }
0x3: {  	_ = 	snop  }
0x4: {  	_ = 	snop  }
0x5: {  	_ = 	snop  }
0x6: {  	_ = 	snop  }
0x7: {  	_ = 	snop  }
__scs_overlays_trampoline_lowered:
0x8: {  	[smem:$0x3FAA] =	sst s0  }
0x9: {  	[smem:$0x3FAB] =	sst s1  }
0xa: {  	[smem:$0x3FAC] =	sst s2  }
0xb: {  	[smem:$0x3FAD] =	sst s3  }
0xc: {  	[smem:$0x3FAE] =	sst s4  }
0xd: {  	[smem:$0x3FAF] =	sst s5  }
0xe: {  	[smem:$0x3FB0] =	sst s6  }
0xf: {  	[smem:$0x3FB1] =	sst s7  }
0x10: {  	[smem:$0x3FB2] =	sst s8  }
0x11: {  	[smem:$0x3FB3] =	sst s9;
	s0 =	simm.s32 @!p0 $0x0  }
0x12: {  	s1 =	sld [smem:$0x3F99];
	s0 =	simm.s32 @p0 $0x1  }
0x13: {  	[smem:$0x3FB4] =	sst s0;
	s0 =	simm.s32 @!p1 $0x0  }
0x14: {  	s2 =	sld [smem:$0x3F98];
	s0 =	simm.s32 @p1 $0x1  }
0x15: {  	[smem:$0x3FB5] =	sst s0;
	s0 =	simm.s32 @!p2 $0x0  }
0x16: {  	s3 =	sld [smem:$0x3FDB];
	s0 =	simm.s32 @p2 $0x1  }
0x17: {  	s4 =	simm.s32 $0x1BF5;
	[smem:$0x3FB7] =	sst s0  }
0x18: {  	s0 =	sld [smem:$0x3F9A];
	_ =	swait.ge [sflag:s4], $0x0  }
0x19: {  	s7 =	sld [smem:$0x3F9B]  }
0x1a: {  	s8 =	sadd.s32 $0xFFFFE003, lr  }
0x1b: {  	s9 =	sadd.s32 $0xFFFFFEF7, lr;
	s5 =	simm.s32 $0xFFFFFFFF;
	p2 =	slt.u32 s8, $0xFFFFF086  }
0x1c: {  	p1 =	slt.u32 s9, $0xF7A;
	s5 =	simm.s32 @!p2 $0x0  }
0x1d: {  	s5 =	simm.s32 @p1 $0x1;
	p0 =	seq.s32 s7, s2  }
0x1e: {  	s7 =	smul.u32 @!p0 $0xF7A, s2;
	p2 =	seq.s32 @!p0 s5, $0x0  }
0x1f: {  	s9 =	smul.u32 $0xF7A, s1;
	s8 =	simm.s32 @!p0 $0x1BF5;
	p2 =	por !p2, p0  }
0x20: {  	[sflag:s8] =	ssyncset.s32 @!p0 $0xFFFFF086;
	s6 =	sadd.s32 @!p0 s3, s7;
	s7 =	simm.s32 @!p0 $0x108  }
0x21: {  	s3 =	sadd.s32 s3, s9;
	s6 =	sadd.s32 @!p0 $0x88, s6;
	s7 =	simm.s32 @p2 $0x1082  }
0x22: {  	[simem:s7], [sflag:s8] =	dma.local @!p0 [hbm:s6], $0xF7A  }
0x23: {  	s9 =	sor.u32 $0xD0000000, s2;
	s6 =	simm.s32 $0x108;
	_ =	swait.ge @!p0 [sflag:s8], $0x0  }
0x24: {  	s3 =	sadd.s32 $0x88, s3;
	s6 =	simm.s32 @!p1 $0x1082;
	[sflag:s4] =	ssyncset.s32 $0xFFFFF086  }
0x25: {  	[simem:s6], [sflag:s4] =	dma.local [hbm:s3], $0xF7A  }
0x26: {  	[smem:$0x3F9B] =	sst s1;
	(tag) =	ssettag s2;
	_ =	strace s9  }
0x27: {  	s1 =	sld [smem:$0x3FAB]  }
0x28: {  	s2 =	sld [smem:$0x3FAC]  }
0x29: {  	s4 =	sld [smem:$0x3FAE]  }
0x2a: {  	p0 =	seq.s32 s5, $0x0;
	s5 =	sld [smem:$0x3FAF]  }
0x2b: {  	s6 =	sld [smem:$0x3FB0]  }
0x2c: {  	s7 =	sld [smem:$0x3FB1]  }
0x2d: {  	s3 =	simm.s32 $0x108;
	s8 =	sld [smem:$0x3FB2]  }
0x2e: {  	s3 =	simm.s32 @!p0 $0x1082;
	s9 =	sld [smem:$0x3FB3]  }
0x2f: {  	lr =	sadd.s32 s0, s3;
	s0 =	sld [smem:$0x3FAA]  }
0x30: {  	s3 =	sld [smem:$0x3FAD]  }
0x31: {  	[smem:$0x3FB6] =	sst s10  }
0x32: {  	s10 =	sld [smem:$0x3FB4];
	_ =	sdelay $0x3  }
0x33: {  	p0 =	seq.s32 s10, $0x1;
	s10 =	sld [smem:$0x3FB6];
	_ =	sdelay $0x3  }
0x34: {  	[smem:$0x3FB6] =	sst s10  }
0x35: {  	s10 =	sld [smem:$0x3FB5];
	_ =	sdelay $0x3  }
0x36: {  	p1 =	seq.s32 s10, $0x1;
	s10 =	sld [smem:$0x3FB6];
	_ =	sdelay $0x3  }
0x37: {  	[smem:$0x3FB6] =	sst s10  }
0x38: {  	s10 =	sld [smem:$0x3FB7]  }
0x39: {  	_ = 	snop;
	(pc) =	sbr.ind lr, $3  }
0x3a: {  	_ = 	snop  }
0x3b: {  	_ = 	snop  }
0x3c: {  	p2 =	seq.s32 s10, $0x1;
	s10 =	sld [smem:$0x3FB6]  }
0x3d: {  	_ =	shalt  }
0x3e: {  	_ =	shalt  }
0x3f: {  	_ =	shalt  }
0x40: {  	_ =	shalt  }
0x41: {  	_ =	shalt  }
0x42: {  	_ =	shalt  }
0x43: {  	_ =	shalt  }
0x44: {  	_ =	shalt  }
0x45: {  	_ =	shalt  }
0x46: {  	_ =	shalt  }
0x47: {  	_ =	shalt  }
0x48: {  	_ =	shalt  }
0x49: {  	_ =	shalt  }
0x4a: {  	_ =	shalt  }
0x4b: {  	_ =	shalt  }
0x4c: {  	_ =	shalt  }
0x4d: {  	_ =	shalt  }
0x4e: {  	_ =	shalt  }
0x4f: {  	_ =	shalt  }
0x50: {  	_ =	shalt  }
0x51: {  	_ =	shalt  }
0x52: {  	_ =	shalt  }
0x53: {  	_ =	shalt  }
0x54: {  	_ =	shalt  }
0x55: {  	_ =	shalt  }
0x56: {  	_ =	shalt  }
0x57: {  	_ =	shalt  }
0x58: {  	_ =	shalt  }
0x59: {  	_ =	shalt  }
0x5a: {  	_ =	shalt  }
0x5b: {  	_ =	shalt  }
0x5c: {  	_ =	shalt  }
0x5d: {  	_ =	shalt  }
0x5e: {  	_ =	shalt  }
0x5f: {  	_ =	shalt  }
0x60: {  	_ =	shalt  }
0x61: {  	_ =	shalt  }
0x62: {  	_ =	shalt  }
0x63: {  	_ =	shalt  }
0x64: {  	_ =	shalt  }
0x65: {  	_ =	shalt  }
0x66: {  	_ =	shalt  }
0x67: {  	_ =	shalt  }
0x68: {  	_ =	shalt  }
0x69: {  	_ =	shalt  }
0x6a: {  	_ =	shalt  }
0x6b: {  	_ =	shalt  }
0x6c: {  	_ =	shalt  }
0x6d: {  	_ =	shalt  }
0x6e: {  	_ =	shalt  }
0x6f: {  	_ =	shalt  }
0x70: {  	_ =	shalt  }
0x71: {  	_ =	shalt  }
0x72: {  	_ =	shalt  }
0x73: {  	_ =	shalt  }
0x74: {  	_ =	shalt  }
0x75: {  	_ =	shalt  }
0x76: {  	_ =	shalt  }
0x77: {  	_ =	shalt  }
0x78: {  	_ =	shalt  }
0x79: {  	_ =	shalt  }
0x7a: {  	_ =	shalt  }
0x7b: {  	_ =	shalt  }
0x7c: {  	_ =	shalt  }
0x7d: {  	_ =	shalt  }
0x7e: {  	_ =	shalt  }
0x7f: {  	_ =	shalt  }
0x80: {  	_ =	shalt  }
0x81: {  	_ =	shalt  }
0x82: {  	_ =	shalt  }
0x83: {  	_ =	shalt  }
0x84: {  	_ =	shalt  }
0x85: {  	_ =	shalt  }
0x86: {  	_ =	shalt  }
0x87: {  	_ =	shalt  }
.Lfunc_end0:
.L_simem_size_0:
called_computation.1_lowered:
.L_overlay_start_0:
0x88: {  	s2 =	sld [smem:$0x3FD9]  }
0x89: {  	s3 =	sld [smem:$0x3FFE];
	_ =	sdelay $0x1  }
0x8a: {  	s1 =	srdreg.scid  }
0x8b: {  	s0 =	sand.u32 $0x1, s1  }
0x8c: {  	s16 =	sshll.u32 s0, $0xA;
	s2 =	sadd.s32 s3, s2  }
0x8d: {  	s2 =	sadd.s32 s2, s16  }
0x8e: {  	[smem:$0x3FC2] =	sst s2  }
0x8f: {  	_ = 	snop  }
0x90: {  	(tm) =	ssettm $0x1  }
0x91: {  	s17 =	sld [smem:$0x3FFB];
	_ =	sdelay $0x3  }
0x92: {  	_ =	strace s17  }
0x93: {  	s2 =	sld [smem:$0x3FFC];
	_ =	sdelay $0x3  }
0x94: {  	_ =	strace s2  }
0x95: {  	s2 =	sld [smem:$0x3FFD];
	_ =	sdelay $0x3  }
0x96: {  	_ =	strace s2  }
0x97: {  	_ =	strace $0x8FFFFFFF  }
0x98: {  	s18 =	sld [smem:$0x3FDB];
	_ =	sdelay $0x1  }
0x99: {  	s19 =	simm.s32 $_scs_section_size  }
0x9a: {  	s4 =	simm.s32 $_size__tile_overlayer_lowered;
	s5 =	simm.s32 $_tile_overlayer_lowered  }
0x9b: {  	s22 =	simm.s32 $0x1BFF;
	s21 =	sshll.u32 s5, $0x1;
	s2 =	sadd.s32 s19, s18  }
0x9c: {  	s6 =	simm.s32 $0x0;
	s20 =	sshll.u32 s4, $0x1;
	s4 =	sadd.s32 s21, s2  }
0x9d: {  	[timem:s6], [sflag:s22] =	dma.local [hbm:s4], s20  }
0x9e: {  	_ =	swait.ge [sflag:s22], s20  }
0x9f: {  	s3 =	ssub.s32 $0x0, s20;
	[sflag:s22] =	ssyncset.done $0x0  }
0xa0: {  	[sflag:s22] =	ssyncadd.s32 s3;
	_ =	sdelay $0x1  }
0xa1: {  	s23 =	simm.s32 $0x1B8B  }
0xa2: {  	_ =	swait.ge [sflag:s23], $0x1  }
0xa3: {  	[sflag:s23] =	ssyncset.done $0x0  }
0xa4: {  	s25 =	simm.s32 $0x1B8E;
	s24 =	sld [smem:$0x3FFE];
	[sflag:s23] =	ssyncadd.s32 $0xFFFFFFFF  }
0xa5: {  	s26 =	simm.s32 $execute0_lowered;
	[smem:$0x3FD2] =	sst s25  }
0xa6: {  	s4 =	sshll.u32 s26, $0x1;
	_ =	strace $0x80000049;
	[dreg:$0x1] =	wrdreg $0xFFFFFFFF  }
0xa7: {  	s28 =	simm.s32 $_size_execute0_lowered;
	s2 =	sadd.s32 s2, s4;
	[dreg:$0x0] =	wrdreg $0x0  }
0xa8: {  	s4 =	sshll.u32 s28, $0x1;
	[dreg:$0x2] =	wrdreg s2  }
0xa9: {  	[dreg:$0x3] =	wrdreg s4  }
0xaa: {  	[dreg:$0x4] =	wrdreg $0xC0  }
0xab: {  	_ =	task [dreg:s6], $0x5FFFF  }
0xac: {  	[dreg:$0x1] =	wrdreg $0xFFFFFFFF  }
0xad: {  	[dreg:$0x0] =	wrdreg $0x60  }
0xae: {  	[dreg:$0x2] =	wrdreg s24  }
0xaf: {  	[dreg:$0x3] =	wrdreg $0x0  }
0xb0: {  	[dreg:$0x4] =	wrdreg $0x9  }
0xb1: {  	_ =	task.clear_ibuf [dreg:s6], $0x5FFFF;
	_ =	strace $0x90000049  }
0xb2: {  	s29 =	simm.s32 $0x9;
	_ =	strace $0x8000004B  }
0xb3: {  	_ =	swait.ge [sflag:s29], $0x1  }
0xb4: {  	[sflag:s29] =	ssyncadd.s32 $0xFFFFFFFF  }
0xb5: {  	_ =	strace $0x9000004B  }
0xb6: {  	_ =	sfence  }
0xb7: {  	s30 =	sld [smem:$0x0];
	_ =	sdelay $0x2  }
0xb8: {  	s31 =	sshll.u32 s1, $0xD;
	s1 =	sshrl.u32 s1, $0x2  }
0xb9: {  	s3 =	sand.u32 $0x4000, s31;
	s1 =	sadd.s32 s1, s30  }
0xba: {  	s0 =	sor.u32 s3, s0;
	s1 =	sshll.u32 s1, $0x11  }
0xbb: {  	s0 =	sor.u32 s1, s0  }
0xbc: {  	s0 =	sadd.s32 $0x8F2B, s0  }
0xbd: {  	[sflag:s0] =	ssyncadd.remote.s32 $0x1  }
0xbe: {  	_ =	sfence.sel $0xFFFF  }
0xbf: {  	[dreg:$0x0] =	wrdreg $0xFFFFFFFF;
	(pc) =	sbr.abs _section_cstart, $3  }
0xc0: {  	[dreg:$0x1] =	wrdreg $0xFFFFFFFF  }
0xc1: {  	_ =	task.clear_ibuf [dreg:s6], $0x2FFFF;
	_ =	strace $0x9FFFFFFF  }
0xc2: {  	(tm) =	ssettm $0x7FFFFFFF  }
0xc3: {  	_ =	shalt  }
tec
execute0_lowered:
.L_overlay_start_1:
0x0: {  	(tag) =	ssettag $0x1  }
0x1: {  	s5 =	rddreg [dreg:$0x0]  }
0x2: {  	s2 =	rddreg [dreg:$0x1]  }
0x3: {  	s0 =	srdreg.scid;
	s1 =	rddreg [dreg:$0x2]  }
0x4: {  	s3 =	simm.s32 $0x0;
	s14 =	simm.s32 $0xB4A0;
	s6 =	sand.u32 $0x1, s0  }
0x5: {  	s15 =	simm.s32 $0x2;
	s0 =	stileid.u32;
	s4 =	smul.u32 $0x27100, s6  }
0x6: {  	s16 =	simm.s32 $0xA000;
	s17 =	simm.s32 $0xA050;
	s7 =	smul.u32 $0x2710, s0  }
0x7: {  	s18 =	simm.s32 $0x50;
	s19 =	simm.s32 $0xA0A0;
	s8 =	smul.u32 $0xA000, s0  }
0x8: {  	s20 =	simm.s32 $0x1;
	s21 =	simm.s32 $0x0;
	s28 =	smul.u32 $0xA0000, s6  }
0x9: {  	[smem:$0x7FF] =	sst s3;
	s10 =	smul.u32 $0x28000, s0;
	s6 =	ssub.s32 $0x2, s6  }
0xa: {  	_ =	strace $0x8000004A;
	s31 =	sshrl.u32 s6, $0x1;
	s4 =	sadd.s32 s7, s4  }
0xb: {  	s7 =	sadd.s32 s8, s28;
	s29 =	sshrl.u32 s10, $0x2;
	s11 =	ssub.s32 s6, s31  }
0xc: {  	s9 =	sshrl.u32 s4, $0x3;
	s4 =	sadd.s32 $0x14E00, s5;
	s7 =	sshrl.u32 s7, $0x3  }
0xd: {  	s11 =	smax.u32 s11, $0x1;
	s13 =	sadd.s32 s9, s5;
	s9 =	sadd.s32 s29, s2  }
0xe: {  	s30 =	sadd.s32 s7, s5;
	s5 =	sadd.s32 s8, s2;
	s6 =	sadd.s32 $0x2000, s9  }
0xf: {  	s7 =	sadd.s32 $0x4000, s9;
	s8 =	sadd.s32 $0x6000, s9;
	s9 =	sadd.s32 $0x8000, s9  }
0x10: {  	v0 =	vimm.f32 $0.0e+00;
	s10 =	sadd.s32 $0x28800, s30;
	s12 =	sadd.s32 $0xB000, s13;
	s13 =	sadd.s32 $0x1200, s13  }
.LBB2_1:
0x11: {  	s22 =	sand.u32 $0x7F00, s3  }
0x12: {  	s23 =	sand.u32 $0x30, s3;
	s24 =	sshrl.u32 s22, $0x2  }
0x13: {  	s22 =	simm.s32 $0x40;
	s24 =	sor.u32 s23, s24;
	s23 =	simm.s32 $0x0  }
.LBB2_2:
0x14: {  	p0 =	sne.s32 s22, $0x7FC0  }
0x15: {  	[tilespmem:s24+$0xB4A0] =	vst v0;
	s23 =	sadd.s32 $0x10, s23;
	s24 =	smov.u32 s22;
	s22 =	sadd.s32 $0x40, s22  }
.Ltmp0:
0x16: {  	(pc) =	sbr.rel @p0 .LBB2_2-.Ltmp0, $4  }
0x17: {  	_ = 	snop  }
0x18: {  	s24 =	sand.u32 $0x7F00, s24  }
0x19: {  	s25 =	sand.u32 $0x30, s23;
	s24 =	sshrl.u32 s24, $0x2  }
0x1a: {  	s24 =	sor.u32 s25, s24  }
0x1b: {  	[tilespmem:s24+$0xB4A0] =	vst v0  }
0x1c: {  	[spmem:s5] =	stream.linear.scatter [tilespmem:s14], [sflag:$0x2], $0x2000, $0x38;
	[tilespmem:$0xD4A0] =	vst v63  }
0x1d: {  	_ =	swait.ge [sflag:s15], $0x2000  }
0x1e: {  	[sflag:s15] =	ssyncset.done $0x0  }
0x1f: {  	[sflag:s15] =	ssyncadd.s32 $0xFFFFE000  }
0x20: {  	[spmem:s6] =	stream.linear.scatter [tilespmem:s14], [sflag:$0x2], $0x2000, $0x38;
	[tilespmem:$0xD4A0] =	vst v63  }
0x21: {  	_ =	swait.ge [sflag:s15], $0x2000  }
0x22: {  	[sflag:s15] =	ssyncset.done $0x0  }
0x23: {  	[sflag:s15] =	ssyncadd.s32 $0xFFFFE000  }
0x24: {  	[spmem:s7] =	stream.linear.scatter [tilespmem:s14], [sflag:$0x2], $0x2000, $0x38;
	[tilespmem:$0xD4A0] =	vst v63  }
0x25: {  	_ =	swait.ge [sflag:s15], $0x2000  }
0x26: {  	[sflag:s15] =	ssyncset.done $0x0  }
0x27: {  	[sflag:s15] =	ssyncadd.s32 $0xFFFFE000  }
0x28: {  	[spmem:s8] =	stream.linear.scatter [tilespmem:s14], [sflag:$0x2], $0x2000, $0x38;
	[tilespmem:$0xD4A0] =	vst v63  }
0x29: {  	_ =	swait.ge [sflag:s15], $0x2000  }
0x2a: {  	[sflag:s15] =	ssyncset.done $0x0  }
0x2b: {  	[sflag:s15] =	ssyncadd.s32 $0xFFFFE000  }
0x2c: {  	[spmem:s9] =	stream.linear.scatter [tilespmem:s14], [sflag:$0x2], $0x2000, $0x38;
	[tilespmem:$0xD4A0] =	vst v63  }
0x2d: {  	_ =	swait.ge [sflag:s15], $0x2000  }
0x2e: {  	[sflag:s15] =	ssyncset.done $0x0  }
0x2f: {  	[sflag:s15] =	ssyncadd.s32 $0xFFFFE000  }
0x30: {  	s22 =	sadd.s32 $0x0, s13;
	[bflag:$0x0] =	sbarrier.arrive $0xFFFF  }
0x31: {  	[tilespmem:s16], [sflag:$0x2] =	stream.linear.gather [hbm4b:s22+s3], $0x50, $0x38;
	[tilespmem:$0xD4A0] =	vst v63  }
0x32: {  	_ =	swait.ge [sflag:s15], $0x50  }
0x33: {  	[sflag:s15] =	ssyncset.done $0x0  }
0x34: {  	s31 =	sadd.s32 $0x0, s12;
	[sflag:s15] =	ssyncadd.s32 $0xFFFFFFB0  }
0x35: {  	[tilespmem:s17], [sflag:$0x2] =	stream.linear.gather [hbm4b:s31+s3], $0x50, $0x38;
	[tilespmem:$0xD4A0] =	vst v63  }
0x36: {  	_ =	swait.ge [sflag:s15], $0x50  }
0x37: {  	[sflag:s15] =	ssyncset.done $0x0  }
0x38: {  	[sflag:s15] =	ssyncadd.s32 $0xFFFFFFB0  }
0x39: {  	[tilespmem:s19], [sflag:$0x1] =	stream.indirect.gather [hbm4b:s4+s18], $0x40, s16, s18, $0xb8;
	[tilespmem:$0xD4A0] =	vst v63  }
0x3a: {  	_ =	swait.ge [sflag:s20], $0x1400  }
0x3b: {  	[sflag:s20] =	ssyncset.done $0x0  }
0x3c: {  	[sflag:s20] =	ssyncadd.s32 $0xFFFFEC00  }
0x3d: {  	[spmem:s2] =	stream.indirect.scatter.add.f32 [tilespmem:s19], [sflag:$0x2], $0x40, s17, s18, $0xb8;
	[tilespmem:$0xD4A0] =	vst v63  }
0x3e: {  	_ =	swait.ge [sflag:s15], $0x1400  }
0x3f: {  	s23 =	simm.s32 $0x14;
	s22 =	simm.s32 $0xA;
	[sflag:s15] =	ssyncset.done $0x0  }
.LBB2_4:
0x40: {  	s24 =	sadd.s32 s22, s13  }
0x41: {  	[sflag:s15] =	ssyncadd.s32 $0xFFFFEC00;
	s25 =	smov.u32 s23;
	s26 =	sadd.s32 $0xA, s23  }
0x42: {  	[tilespmem:s16], [sflag:$0x2] =	stream.linear.gather [hbm4b:s24+s3], $0x50, $0x38;
	[tilespmem:$0xD4A0] =	vst v63  }
0x43: {  	p0 =	sne.s32 s23, $0x4D8;
	_ =	swait.ge [sflag:s15], $0x50  }
0x44: {  	[sflag:s15] =	ssyncset.done $0x0  }
0x45: {  	s23 =	sadd.s32 s22, s12;
	s22 =	smov.u32 s25;
	[sflag:s15] =	ssyncadd.s32 $0xFFFFFFB0  }
0x46: {  	[tilespmem:s17], [sflag:$0x2] =	stream.linear.gather [hbm4b:s23+s3], $0x50, $0x38;
	[tilespmem:$0xD4A0] =	vst v63  }
0x47: {  	_ =	swait.ge [sflag:s15], $0x50  }
0x48: {  	[sflag:s15] =	ssyncset.done $0x0  }
0x49: {  	[sflag:s15] =	ssyncadd.s32 $0xFFFFFFB0  }
0x4a: {  	[tilespmem:s19], [sflag:$0x1] =	stream.indirect.gather [hbm4b:s4+s18], $0x40, s16, s18, $0xb8;
	[tilespmem:$0xD4A0] =	vst v63  }
0x4b: {  	_ =	swait.ge [sflag:s20], $0x1400  }
.Ltmp1:
0x4c: {  	[sflag:s20] =	ssyncset.done $0x0;
	(pc) =	sbr.rel @p0 .LBB2_4-.Ltmp1, $4  }
0x4d: {  	[sflag:s20] =	ssyncadd.s32 $0xFFFFEC00  }
0x4e: {  	[spmem:s2] =	stream.indirect.scatter.add.f32 [tilespmem:s19], [sflag:$0x2], $0x40, s17, s18, $0xb8;
	[tilespmem:$0xD4A0] =	vst v63  }
0x4f: {  	_ =	swait.ge [sflag:s15], $0x1400  }
0x50: {  	s23 =	smov.u32 s26;
	[sflag:s15] =	ssyncset.done $0x0  }
0x51: {  	s23 =	sadd.s32 s22, s13;
	[sflag:s15] =	ssyncadd.s32 $0xFFFFEC00  }
0x52: {  	[tilespmem:s16], [sflag:$0x2] =	stream.linear.gather [hbm4b:s23+s3], $0x50, $0x38;
	[tilespmem:$0xD4A0] =	vst v63  }
0x53: {  	_ =	swait.ge [sflag:s15], $0x50  }
0x54: {  	[sflag:s15] =	ssyncset.done $0x0  }
0x55: {  	s29 =	sadd.s32 s22, s12;
	[sflag:s15] =	ssyncadd.s32 $0xFFFFFFB0  }
0x56: {  	[tilespmem:s17], [sflag:$0x2] =	stream.linear.gather [hbm4b:s29+s3], $0x50, $0x38;
	[tilespmem:$0xD4A0] =	vst v63  }
0x57: {  	_ =	swait.ge [sflag:s15], $0x50  }
0x58: {  	[sflag:s15] =	ssyncset.done $0x0  }
0x59: {  	[sflag:s15] =	ssyncadd.s32 $0xFFFFFFB0  }
0x5a: {  	[tilespmem:s19], [sflag:$0x1] =	stream.indirect.gather [hbm4b:s4+s18], $0x40, s16, s18, $0xb8;
	[tilespmem:$0xD4A0] =	vst v63  }
0x5b: {  	_ =	swait.ge [sflag:s20], $0x1400  }
0x5c: {  	[sflag:s20] =	ssyncset.done $0x0  }
0x5d: {  	[sflag:s20] =	ssyncadd.s32 $0xFFFFEC00  }
0x5e: {  	[spmem:s2] =	stream.indirect.scatter.add.f32 [tilespmem:s19], [sflag:$0x2], $0x40, s17, s18, $0xb8;
	[tilespmem:$0xD4A0] =	vst v63  }
0x5f: {  	_ =	swait.ge [sflag:s15], $0x1400  }
0x60: {  	s30 =	sshll.u32 s0, $0x6;
	s21 =	sadd.s32 $0x1, s21;
	[sflag:s15] =	ssyncset.done $0x0  }
0x61: {  	s31 =	sshrl.u32 s5, $0x3;
	p0 =	sne.s32 s21, s11;
	[sflag:s15] =	ssyncadd.s32 $0xFFFFEC00  }
.Ltmp2:
0x62: {  	s22 =	sor.u32 $0x1C02, s30;
	[bflag:$0x0] =	sbarrier.arrive $0xFFFF;
	(pc) =	sbr.rel @p0 .LBB2_1-.Ltmp2, $4  }
0x63: {  	[hbm:s10], [sflag:s22] =	dma.local [spmem:s31], $0x1400  }
0x64: {  	_ =	swait.ge [sflag:s15], $0x1400  }
0x65: {  	[sflag:s15] =	ssyncset.done $0x0  }
0x66: {  	[sflag:s15] =	ssyncadd.s32 $0xFFFFEC00  }
0x67: {  	_ =	sfence.sel $0x180000  }
0x68: {  	[bflag:$0x0] =	sbarrier.arrive $0xFFFF  }
0x69: {  	p0 =	sne.s32 s0, $0x0;
	_ =	strace $0x9000004A  }
0x6a: {  	s0 =	sadd.s32 @!p0 $0x100000, s1;
	[bflag:$0x2] =	sbarrier.arrive $0xFFFF  }
0x6b: {  	[sflag:s0] =	ssyncadd.tile.s32 @!p0 $0x1;
	_ =	shalt  }
.Lfunc_end2:
_tile_overlayer_lowered:
.L_overlay_start_2:
0x6c: {  	(tag) =	ssettag $0x2  }
0x6d: {  	s0 =	rddreg [dreg:$0x0];
	s2 =	stileid.u32  }
0x6e: {  	s1 =	rddreg [dreg:$0x1];
	p0 =	sne.s32 s2, $0x0  }
0x6f: {  	s3 =	rddreg [dreg:$0x2];
	[bflag:$0x3] =	sbarrier.arrive $0xFFFF;
	s2 =	simm.s32 @!p0 $0x1C02  }
0x70: {  	[timem:s3], [sflag:s2] =	dma.local @!p0 [hbm:s0], s1  }
0x71: {  	s0 =	simm.s32 @!p0 $0x2  }
0x72: {  	_ =	swait.ge @!p0 [sflag:s0], s1  }
0x73: {  	s1 =	ssub.s32 @!p0 $0x0, s1;
	[sflag:s0] =	ssyncset.done @!p0 $0x0  }
0x74: {  	[sflag:s0] =	ssyncadd.s32 @!p0 s1  }
0x75: {  	[bflag:$0x3] =	sbarrier.arrive $0xFFFF  }
0x76: {  	_ =	shalt  }

// kernel: kernel.14.cloned.1.call-start
scs
__scs_entry_jumppad:
0x0: {  	(pc) =	sbr.rel $0x88, $3  }
0x1: {  	(tag) =	ssettag $0x0;
	lr =	simm.s32 $0x1  }
0x2: {  	[smem:$0x3F9B] =	sst lr;
	_ =	strace $0xD0000000  }
0x3: {  	_ = 	snop  }
0x4: {  	_ = 	snop  }
0x5: {  	_ = 	snop  }
0x6: {  	_ = 	snop  }
0x7: {  	_ = 	snop  }
__scs_overlays_trampoline_lowered:
0x8: {  	[smem:$0x3FAA] =	sst s0  }
0x9: {  	[smem:$0x3FAB] =	sst s1  }
0xa: {  	[smem:$0x3FAC] =	sst s2  }
0xb: {  	[smem:$0x3FAD] =	sst s3  }
0xc: {  	[smem:$0x3FAE] =	sst s4  }
0xd: {  	[smem:$0x3FAF] =	sst s5  }
0xe: {  	[smem:$0x3FB0] =	sst s6  }
0xf: {  	[smem:$0x3FB1] =	sst s7  }
0x10: {  	[smem:$0x3FB2] =	sst s8  }
0x11: {  	[smem:$0x3FB3] =	sst s9;
	s0 =	simm.s32 @!p0 $0x0  }
0x12: {  	s1 =	sld [smem:$0x3F99];
	s0 =	simm.s32 @p0 $0x1  }
0x13: {  	[smem:$0x3FB4] =	sst s0;
	s0 =	simm.s32 @!p1 $0x0  }
0x14: {  	s2 =	sld [smem:$0x3F98];
	s0 =	simm.s32 @p1 $0x1  }
0x15: {  	[smem:$0x3FB5] =	sst s0;
	s0 =	simm.s32 @!p2 $0x0  }
0x16: {  	s3 =	sld [smem:$0x3FDB];
	s0 =	simm.s32 @p2 $0x1  }
0x17: {  	s4 =	simm.s32 $0x1BF5;
	[smem:$0x3FB7] =	sst s0  }
0x18: {  	s0 =	sld [smem:$0x3F9A];
	_ =	swait.ge [sflag:s4], $0x0  }
0x19: {  	s7 =	sld [smem:$0x3F9B]  }
0x1a: {  	s8 =	sadd.s32 $0xFFFFE003, lr  }
0x1b: {  	s9 =	sadd.s32 $0xFFFFFEF7, lr;
	s5 =	simm.s32 $0xFFFFFFFF;
	p2 =	slt.u32 s8, $0xFFFFF086  }
0x1c: {  	p1 =	slt.u32 s9, $0xF7A;
	s5 =	simm.s32 @!p2 $0x0  }
0x1d: {  	s5 =	simm.s32 @p1 $0x1;
	p0 =	seq.s32 s7, s2  }
0x1e: {  	s7 =	smul.u32 @!p0 $0xF7A, s2;
	p2 =	seq.s32 @!p0 s5, $0x0  }
0x1f: {  	s9 =	smul.u32 $0xF7A, s1;
	s8 =	simm.s32 @!p0 $0x1BF5;
	p2 =	por !p2, p0  }
0x20: {  	[sflag:s8] =	ssyncset.s32 @!p0 $0xFFFFF086;
	s6 =	sadd.s32 @!p0 s3, s7;
	s7 =	simm.s32 @!p0 $0x108  }
0x21: {  	s3 =	sadd.s32 s3, s9;
	s6 =	sadd.s32 @!p0 $0x88, s6;
	s7 =	simm.s32 @p2 $0x1082  }
0x22: {  	[simem:s7], [sflag:s8] =	dma.local @!p0 [hbm:s6], $0xF7A  }
0x23: {  	s9 =	sor.u32 $0xD0000000, s2;
	s6 =	simm.s32 $0x108;
	_ =	swait.ge @!p0 [sflag:s8], $0x0  }
0x24: {  	s3 =	sadd.s32 $0x88, s3;
	s6 =	simm.s32 @!p1 $0x1082;
	[sflag:s4] =	ssyncset.s32 $0xFFFFF086  }
0x25: {  	[simem:s6], [sflag:s4] =	dma.local [hbm:s3], $0xF7A  }
0x26: {  	[smem:$0x3F9B] =	sst s1;
	(tag) =	ssettag s2;
	_ =	strace s9  }
0x27: {  	s1 =	sld [smem:$0x3FAB]  }
0x28: {  	s2 =	sld [smem:$0x3FAC]  }
0x29: {  	s4 =	sld [smem:$0x3FAE]  }
0x2a: {  	p0 =	seq.s32 s5, $0x0;
	s5 =	sld [smem:$0x3FAF]  }
0x2b: {  	s6 =	sld [smem:$0x3FB0]  }
0x2c: {  	s7 =	sld [smem:$0x3FB1]  }
0x2d: {  	s3 =	simm.s32 $0x108;
	s8 =	sld [smem:$0x3FB2]  }
0x2e: {  	s3 =	simm.s32 @!p0 $0x1082;
	s9 =	sld [smem:$0x3FB3]  }
0x2f: {  	lr =	sadd.s32 s0, s3;
	s0 =	sld [smem:$0x3FAA]  }
0x30: {  	s3 =	sld [smem:$0x3FAD]  }
0x31: {  	[smem:$0x3FB6] =	sst s10  }
0x32: {  	s10 =	sld [smem:$0x3FB4];
	_ =	sdelay $0x3  }
0x33: {  	p0 =	seq.s32 s10, $0x1;
	s10 =	sld [smem:$0x3FB6];
	_ =	sdelay $0x3  }
0x34: {  	[smem:$0x3FB6] =	sst s10  }
0x35: {  	s10 =	sld [smem:$0x3FB5];
	_ =	sdelay $0x3  }
0x36: {  	p1 =	seq.s32 s10, $0x1;
	s10 =	sld [smem:$0x3FB6];
	_ =	sdelay $0x3  }
0x37: {  	[smem:$0x3FB6] =	sst s10  }
0x38: {  	s10 =	sld [smem:$0x3FB7]  }
0x39: {  	_ = 	snop;
	(pc) =	sbr.ind lr, $3  }
0x3a: {  	_ = 	snop  }
0x3b: {  	_ = 	snop  }
0x3c: {  	p2 =	seq.s32 s10, $0x1;
	s10 =	sld [smem:$0x3FB6]  }
0x3d: {  	_ =	shalt  }
0x3e: {  	_ =	shalt  }
0x3f: {  	_ =	shalt  }
0x40: {  	_ =	shalt  }
0x41: {  	_ =	shalt  }
0x42: {  	_ =	shalt  }
0x43: {  	_ =	shalt  }
0x44: {  	_ =	shalt  }
0x45: {  	_ =	shalt  }
0x46: {  	_ =	shalt  }
0x47: {  	_ =	shalt  }
0x48: {  	_ =	shalt  }
0x49: {  	_ =	shalt  }
0x4a: {  	_ =	shalt  }
0x4b: {  	_ =	shalt  }
0x4c: {  	_ =	shalt  }
0x4d: {  	_ =	shalt  }
0x4e: {  	_ =	shalt  }
0x4f: {  	_ =	shalt  }
0x50: {  	_ =	shalt  }
0x51: {  	_ =	shalt  }
0x52: {  	_ =	shalt  }
0x53: {  	_ =	shalt  }
0x54: {  	_ =	shalt  }
0x55: {  	_ =	shalt  }
0x56: {  	_ =	shalt  }
0x57: {  	_ =	shalt  }
0x58: {  	_ =	shalt  }
0x59: {  	_ =	shalt  }
0x5a: {  	_ =	shalt  }
0x5b: {  	_ =	shalt  }
0x5c: {  	_ =	shalt  }
0x5d: {  	_ =	shalt  }
0x5e: {  	_ =	shalt  }
0x5f: {  	_ =	shalt  }
0x60: {  	_ =	shalt  }
0x61: {  	_ =	shalt  }
0x62: {  	_ =	shalt  }
0x63: {  	_ =	shalt  }
0x64: {  	_ =	shalt  }
0x65: {  	_ =	shalt  }
0x66: {  	_ =	shalt  }
0x67: {  	_ =	shalt  }
0x68: {  	_ =	shalt  }
0x69: {  	_ =	shalt  }
0x6a: {  	_ =	shalt  }
0x6b: {  	_ =	shalt  }
0x6c: {  	_ =	shalt  }
0x6d: {  	_ =	shalt  }
0x6e: {  	_ =	shalt  }
0x6f: {  	_ =	shalt  }
0x70: {  	_ =	shalt  }
0x71: {  	_ =	shalt  }
0x72: {  	_ =	shalt  }
0x73: {  	_ =	shalt  }
0x74: {  	_ =	shalt  }
0x75: {  	_ =	shalt  }
0x76: {  	_ =	shalt  }
0x77: {  	_ =	shalt  }
0x78: {  	_ =	shalt  }
0x79: {  	_ =	shalt  }
0x7a: {  	_ =	shalt  }
0x7b: {  	_ =	shalt  }
0x7c: {  	_ =	shalt  }
0x7d: {  	_ =	shalt  }
0x7e: {  	_ =	shalt  }
0x7f: {  	_ =	shalt  }
0x80: {  	_ =	shalt  }
0x81: {  	_ =	shalt  }
0x82: {  	_ =	shalt  }
0x83: {  	_ =	shalt  }
0x84: {  	_ =	shalt  }
0x85: {  	_ =	shalt  }
0x86: {  	_ =	shalt  }
0x87: {  	_ =	shalt  }
.Lfunc_end0:
.L_simem_size_0:
called_computation.2_lowered:
.L_overlay_start_0:
0x88: {  	s2 =	sld [smem:$0x3FD9]  }
0x89: {  	s3 =	sld [smem:$0x3FFE];
	_ =	sdelay $0x1  }
0x8a: {  	s1 =	srdreg.scid  }
0x8b: {  	s0 =	sand.u32 $0x1, s1  }
0x8c: {  	s16 =	sshll.u32 s0, $0xA;
	s2 =	sadd.s32 s3, s2  }
0x8d: {  	s2 =	sadd.s32 s2, s16  }
0x8e: {  	[smem:$0x3FC2] =	sst s2  }
0x8f: {  	_ = 	snop  }
0x90: {  	(tm) =	ssettm $0x1  }
0x91: {  	s17 =	sld [smem:$0x3FFB];
	_ =	sdelay $0x3  }
0x92: {  	_ =	strace s17  }
0x93: {  	s2 =	sld [smem:$0x3FFC];
	_ =	sdelay $0x3  }
0x94: {  	_ =	strace s2  }
0x95: {  	s2 =	sld [smem:$0x3FFD];
	_ =	sdelay $0x3  }
0x96: {  	_ =	strace s2  }
0x97: {  	_ =	strace $0x8FFFFFFF  }
0x98: {  	s18 =	sld [smem:$0x3FDB];
	_ =	sdelay $0x1  }
0x99: {  	s19 =	simm.s32 $_scs_section_size  }
0x9a: {  	s4 =	simm.s32 $_size__tile_overlayer_lowered;
	s5 =	simm.s32 $_tile_overlayer_lowered  }
0x9b: {  	s22 =	simm.s32 $0x1BFF;
	s21 =	sshll.u32 s5, $0x1;
	s2 =	sadd.s32 s19, s18  }
0x9c: {  	s6 =	simm.s32 $0x0;
	s20 =	sshll.u32 s4, $0x1;
	s4 =	sadd.s32 s21, s2  }
0x9d: {  	[timem:s6], [sflag:s22] =	dma.local [hbm:s4], s20  }
0x9e: {  	_ =	swait.ge [sflag:s22], s20  }
0x9f: {  	s3 =	ssub.s32 $0x0, s20;
	[sflag:s22] =	ssyncset.done $0x0  }
0xa0: {  	[sflag:s22] =	ssyncadd.s32 s3;
	_ =	sdelay $0x1  }
0xa1: {  	s23 =	simm.s32 $0x1B8B  }
0xa2: {  	_ =	swait.ge [sflag:s23], $0x1  }
0xa3: {  	[sflag:s23] =	ssyncset.done $0x0  }
0xa4: {  	s25 =	simm.s32 $0x1B8E;
	s24 =	sld [smem:$0x3FFE];
	[sflag:s23] =	ssyncadd.s32 $0xFFFFFFFF  }
0xa5: {  	s26 =	simm.s32 $execute0_lowered;
	[smem:$0x3FD2] =	sst s25  }
0xa6: {  	s4 =	sshll.u32 s26, $0x1;
	_ =	strace $0x8000004C;
	[dreg:$0x1] =	wrdreg $0xFFFFFFFF  }
0xa7: {  	s28 =	simm.s32 $_size_execute0_lowered;
	s2 =	sadd.s32 s2, s4;
	[dreg:$0x0] =	wrdreg $0x0  }
0xa8: {  	s4 =	sshll.u32 s28, $0x1;
	[dreg:$0x2] =	wrdreg s2  }
0xa9: {  	[dreg:$0x3] =	wrdreg s4  }
0xaa: {  	[dreg:$0x4] =	wrdreg $0xC0  }
0xab: {  	_ =	task [dreg:s6], $0x5FFFF  }
0xac: {  	[dreg:$0x1] =	wrdreg $0xFFFFFFFF  }
0xad: {  	[dreg:$0x0] =	wrdreg $0x60  }
0xae: {  	[dreg:$0x2] =	wrdreg s24  }
0xaf: {  	[dreg:$0x3] =	wrdreg $0x0  }
0xb0: {  	[dreg:$0x4] =	wrdreg $0x9  }
0xb1: {  	_ =	task.clear_ibuf [dreg:s6], $0x5FFFF;
	_ =	strace $0x9000004C  }
0xb2: {  	s29 =	simm.s32 $0x9;
	_ =	strace $0x8000004E  }
0xb3: {  	_ =	swait.ge [sflag:s29], $0x1  }
0xb4: {  	[sflag:s29] =	ssyncadd.s32 $0xFFFFFFFF  }
0xb5: {  	_ =	strace $0x9000004E  }
0xb6: {  	_ =	sfence  }
0xb7: {  	s30 =	sld [smem:$0x0];
	_ =	sdelay $0x2  }
0xb8: {  	s31 =	sshll.u32 s1, $0xD;
	s1 =	sshrl.u32 s1, $0x2  }
0xb9: {  	s3 =	sand.u32 $0x4000, s31;
	s1 =	sadd.s32 s1, s30  }
0xba: {  	s0 =	sor.u32 s3, s0;
	s1 =	sshll.u32 s1, $0x11  }
0xbb: {  	s0 =	sor.u32 s1, s0  }
0xbc: {  	s0 =	sadd.s32 $0x8F2B, s0  }
0xbd: {  	[sflag:s0] =	ssyncadd.remote.s32 $0x1  }
0xbe: {  	_ =	sfence.sel $0xFFFF  }
0xbf: {  	[dreg:$0x0] =	wrdreg $0xFFFFFFFF;
	(pc) =	sbr.abs _section_cstart, $3  }
0xc0: {  	[dreg:$0x1] =	wrdreg $0xFFFFFFFF  }
0xc1: {  	_ =	task.clear_ibuf [dreg:s6], $0x2FFFF;
	_ =	strace $0x9FFFFFFF  }
0xc2: {  	(tm) =	ssettm $0x7FFFFFFF  }
0xc3: {  	_ =	shalt  }
tec
execute0_lowered:
.L_overlay_start_1:
0x0: {  	(tag) =	ssettag $0x1  }
0x1: {  	s5 =	rddreg [dreg:$0x0]  }
0x2: {  	s2 =	rddreg [dreg:$0x1]  }
0x3: {  	s0 =	srdreg.scid;
	s1 =	rddreg [dreg:$0x2]  }
0x4: {  	s3 =	simm.s32 $0x0;
	s14 =	simm.s32 $0xB4A0;
	s6 =	sand.u32 $0x1, s0  }
0x5: {  	s15 =	simm.s32 $0x2;
	s0 =	stileid.u32;
	s4 =	smul.u32 $0x27100, s6  }
0x6: {  	s16 =	simm.s32 $0xA000;
	s17 =	simm.s32 $0xA050;
	s7 =	smul.u32 $0x2710, s0  }
0x7: {  	s18 =	simm.s32 $0x50;
	s19 =	simm.s32 $0xA0A0;
	s8 =	smul.u32 $0xA000, s0  }
0x8: {  	s20 =	simm.s32 $0x1;
	s21 =	simm.s32 $0x0;
	s28 =	smul.u32 $0xA0000, s6  }
0x9: {  	[smem:$0x7FF] =	sst s3;
	s10 =	smul.u32 $0x28000, s0;
	s6 =	ssub.s32 $0x2, s6  }
0xa: {  	_ =	strace $0x8000004D;
	s31 =	sshrl.u32 s6, $0x1;
	s4 =	sadd.s32 s7, s4  }
0xb: {  	s7 =	sadd.s32 s8, s28;
	s29 =	sshrl.u32 s10, $0x2;
	s11 =	ssub.s32 s6, s31  }
0xc: {  	s9 =	sshrl.u32 s4, $0x3;
	s4 =	sadd.s32 $0x14E00, s5;
	s7 =	sshrl.u32 s7, $0x3  }
0xd: {  	s11 =	smax.u32 s11, $0x1;
	s13 =	sadd.s32 s9, s5;
	s9 =	sadd.s32 s29, s2  }
0xe: {  	s30 =	sadd.s32 s7, s5;
	s5 =	sadd.s32 s8, s2;
	s6 =	sadd.s32 $0x2000, s9  }
0xf: {  	s7 =	sadd.s32 $0x4000, s9;
	s8 =	sadd.s32 $0x6000, s9;
	s9 =	sadd.s32 $0x8000, s9  }
0x10: {  	v0 =	vimm.f32 $0.0e+00;
	s10 =	sadd.s32 $0x28800, s30;
	s12 =	sadd.s32 $0xB000, s13;
	s13 =	sadd.s32 $0x1200, s13  }
.LBB2_1:
0x11: {  	s22 =	sand.u32 $0x7F00, s3  }
0x12: {  	s23 =	sand.u32 $0x30, s3;
	s24 =	sshrl.u32 s22, $0x2  }
0x13: {  	s22 =	simm.s32 $0x40;
	s24 =	sor.u32 s23, s24;
	s23 =	simm.s32 $0x0  }
.LBB2_2:
0x14: {  	p0 =	sne.s32 s22, $0x7FC0  }
0x15: {  	[tilespmem:s24+$0xB4A0] =	vst v0;
	s23 =	sadd.s32 $0x10, s23;
	s24 =	smov.u32 s22;
	s22 =	sadd.s32 $0x40, s22  }
.Ltmp0:
0x16: {  	(pc) =	sbr.rel @p0 .LBB2_2-.Ltmp0, $4  }
0x17: {  	_ = 	snop  }
0x18: {  	s24 =	sand.u32 $0x7F00, s24  }
0x19: {  	s25 =	sand.u32 $0x30, s23;
	s24 =	sshrl.u32 s24, $0x2  }
0x1a: {  	s24 =	sor.u32 s25, s24  }
0x1b: {  	[tilespmem:s24+$0xB4A0] =	vst v0  }
0x1c: {  	[spmem:s5] =	stream.linear.scatter [tilespmem:s14], [sflag:$0x2], $0x2000, $0x38;
	[tilespmem:$0xD4A0] =	vst v63  }
0x1d: {  	_ =	swait.ge [sflag:s15], $0x2000  }
0x1e: {  	[sflag:s15] =	ssyncset.done $0x0  }
0x1f: {  	[sflag:s15] =	ssyncadd.s32 $0xFFFFE000  }
0x20: {  	[spmem:s6] =	stream.linear.scatter [tilespmem:s14], [sflag:$0x2], $0x2000, $0x38;
	[tilespmem:$0xD4A0] =	vst v63  }
0x21: {  	_ =	swait.ge [sflag:s15], $0x2000  }
0x22: {  	[sflag:s15] =	ssyncset.done $0x0  }
0x23: {  	[sflag:s15] =	ssyncadd.s32 $0xFFFFE000  }
0x24: {  	[spmem:s7] =	stream.linear.scatter [tilespmem:s14], [sflag:$0x2], $0x2000, $0x38;
	[tilespmem:$0xD4A0] =	vst v63  }
0x25: {  	_ =	swait.ge [sflag:s15], $0x2000  }
0x26: {  	[sflag:s15] =	ssyncset.done $0x0  }
0x27: {  	[sflag:s15] =	ssyncadd.s32 $0xFFFFE000  }
0x28: {  	[spmem:s8] =	stream.linear.scatter [tilespmem:s14], [sflag:$0x2], $0x2000, $0x38;
	[tilespmem:$0xD4A0] =	vst v63  }
0x29: {  	_ =	swait.ge [sflag:s15], $0x2000  }
0x2a: {  	[sflag:s15] =	ssyncset.done $0x0  }
0x2b: {  	[sflag:s15] =	ssyncadd.s32 $0xFFFFE000  }
0x2c: {  	[spmem:s9] =	stream.linear.scatter [tilespmem:s14], [sflag:$0x2], $0x2000, $0x38;
	[tilespmem:$0xD4A0] =	vst v63  }
0x2d: {  	_ =	swait.ge [sflag:s15], $0x2000  }
0x2e: {  	[sflag:s15] =	ssyncset.done $0x0  }
0x2f: {  	[sflag:s15] =	ssyncadd.s32 $0xFFFFE000  }
0x30: {  	s22 =	sadd.s32 $0x0, s13;
	[bflag:$0x0] =	sbarrier.arrive $0xFFFF  }
0x31: {  	[tilespmem:s16], [sflag:$0x2] =	stream.linear.gather [hbm4b:s22+s3], $0x50, $0x38;
	[tilespmem:$0xD4A0] =	vst v63  }
0x32: {  	_ =	swait.ge [sflag:s15], $0x50  }
0x33: {  	[sflag:s15] =	ssyncset.done $0x0  }
0x34: {  	s31 =	sadd.s32 $0x0, s12;
	[sflag:s15] =	ssyncadd.s32 $0xFFFFFFB0  }
0x35: {  	[tilespmem:s17], [sflag:$0x2] =	stream.linear.gather [hbm4b:s31+s3], $0x50, $0x38;
	[tilespmem:$0xD4A0] =	vst v63  }
0x36: {  	_ =	swait.ge [sflag:s15], $0x50  }
0x37: {  	[sflag:s15] =	ssyncset.done $0x0  }
0x38: {  	[sflag:s15] =	ssyncadd.s32 $0xFFFFFFB0  }
0x39: {  	[tilespmem:s19], [sflag:$0x1] =	stream.indirect.gather [hbm4b:s4+s18], $0x40, s16, s18, $0xb8;
	[tilespmem:$0xD4A0] =	vst v63  }
0x3a: {  	_ =	swait.ge [sflag:s20], $0x1400  }
0x3b: {  	[sflag:s20] =	ssyncset.done $0x0  }
0x3c: {  	[sflag:s20] =	ssyncadd.s32 $0xFFFFEC00  }
0x3d: {  	[spmem:s2] =	stream.indirect.scatter.add.f32 [tilespmem:s19], [sflag:$0x2], $0x40, s17, s18, $0xb8;
	[tilespmem:$0xD4A0] =	vst v63  }
0x3e: {  	_ =	swait.ge [sflag:s15], $0x1400  }
0x3f: {  	s23 =	simm.s32 $0x14;
	s22 =	simm.s32 $0xA;
	[sflag:s15] =	ssyncset.done $0x0  }
.LBB2_4:
0x40: {  	s24 =	sadd.s32 s22, s13  }
0x41: {  	[sflag:s15] =	ssyncadd.s32 $0xFFFFEC00;
	s25 =	smov.u32 s23;
	s26 =	sadd.s32 $0xA, s23  }
0x42: {  	[tilespmem:s16], [sflag:$0x2] =	stream.linear.gather [hbm4b:s24+s3], $0x50, $0x38;
	[tilespmem:$0xD4A0] =	vst v63  }
0x43: {  	p0 =	sne.s32 s23, $0x4D8;
	_ =	swait.ge [sflag:s15], $0x50  }
0x44: {  	[sflag:s15] =	ssyncset.done $0x0  }
0x45: {  	s23 =	sadd.s32 s22, s12;
	s22 =	smov.u32 s25;
	[sflag:s15] =	ssyncadd.s32 $0xFFFFFFB0  }
0x46: {  	[tilespmem:s17], [sflag:$0x2] =	stream.linear.gather [hbm4b:s23+s3], $0x50, $0x38;
	[tilespmem:$0xD4A0] =	vst v63  }
0x47: {  	_ =	swait.ge [sflag:s15], $0x50  }
0x48: {  	[sflag:s15] =	ssyncset.done $0x0  }
0x49: {  	[sflag:s15] =	ssyncadd.s32 $0xFFFFFFB0  }
0x4a: {  	[tilespmem:s19], [sflag:$0x1] =	stream.indirect.gather [hbm4b:s4+s18], $0x40, s16, s18, $0xb8;
	[tilespmem:$0xD4A0] =	vst v63  }
0x4b: {  	_ =	swait.ge [sflag:s20], $0x1400  }
.Ltmp1:
0x4c: {  	[sflag:s20] =	ssyncset.done $0x0;
	(pc) =	sbr.rel @p0 .LBB2_4-.Ltmp1, $4  }
0x4d: {  	[sflag:s20] =	ssyncadd.s32 $0xFFFFEC00  }
0x4e: {  	[spmem:s2] =	stream.indirect.scatter.add.f32 [tilespmem:s19], [sflag:$0x2], $0x40, s17, s18, $0xb8;
	[tilespmem:$0xD4A0] =	vst v63  }
0x4f: {  	_ =	swait.ge [sflag:s15], $0x1400  }
0x50: {  	s23 =	smov.u32 s26;
	[sflag:s15] =	ssyncset.done $0x0  }
0x51: {  	s23 =	sadd.s32 s22, s13;
	[sflag:s15] =	ssyncadd.s32 $0xFFFFEC00  }
0x52: {  	[tilespmem:s16], [sflag:$0x2] =	stream.linear.gather [hbm4b:s23+s3], $0x50, $0x38;
	[tilespmem:$0xD4A0] =	vst v63  }
0x53: {  	_ =	swait.ge [sflag:s15], $0x50  }
0x54: {  	[sflag:s15] =	ssyncset.done $0x0  }
0x55: {  	s29 =	sadd.s32 s22, s12;
	[sflag:s15] =	ssyncadd.s32 $0xFFFFFFB0  }
0x56: {  	[tilespmem:s17], [sflag:$0x2] =	stream.linear.gather [hbm4b:s29+s3], $0x50, $0x38;
	[tilespmem:$0xD4A0] =	vst v63  }
0x57: {  	_ =	swait.ge [sflag:s15], $0x50  }
0x58: {  	[sflag:s15] =	ssyncset.done $0x0  }
0x59: {  	[sflag:s15] =	ssyncadd.s32 $0xFFFFFFB0  }
0x5a: {  	[tilespmem:s19], [sflag:$0x1] =	stream.indirect.gather [hbm4b:s4+s18], $0x40, s16, s18, $0xb8;
	[tilespmem:$0xD4A0] =	vst v63  }
0x5b: {  	_ =	swait.ge [sflag:s20], $0x1400  }
0x5c: {  	[sflag:s20] =	ssyncset.done $0x0  }
0x5d: {  	[sflag:s20] =	ssyncadd.s32 $0xFFFFEC00  }
0x5e: {  	[spmem:s2] =	stream.indirect.scatter.add.f32 [tilespmem:s19], [sflag:$0x2], $0x40, s17, s18, $0xb8;
	[tilespmem:$0xD4A0] =	vst v63  }
0x5f: {  	_ =	swait.ge [sflag:s15], $0x1400  }
0x60: {  	s30 =	sshll.u32 s0, $0x6;
	s21 =	sadd.s32 $0x1, s21;
	[sflag:s15] =	ssyncset.done $0x0  }
0x61: {  	s31 =	sshrl.u32 s5, $0x3;
	p0 =	sne.s32 s21, s11;
	[sflag:s15] =	ssyncadd.s32 $0xFFFFEC00  }
.Ltmp2:
0x62: {  	s22 =	sor.u32 $0x1C02, s30;
	[bflag:$0x0] =	sbarrier.arrive $0xFFFF;
	(pc) =	sbr.rel @p0 .LBB2_1-.Ltmp2, $4  }
0x63: {  	[hbm:s10], [sflag:s22] =	dma.local [spmem:s31], $0x1400  }
0x64: {  	_ =	swait.ge [sflag:s15], $0x1400  }
0x65: {  	[sflag:s15] =	ssyncset.done $0x0  }
0x66: {  	[sflag:s15] =	ssyncadd.s32 $0xFFFFEC00  }
0x67: {  	_ =	sfence.sel $0x180000  }
0x68: {  	[bflag:$0x0] =	sbarrier.arrive $0xFFFF  }
0x69: {  	p0 =	sne.s32 s0, $0x0;
	_ =	strace $0x9000004D  }
0x6a: {  	s0 =	sadd.s32 @!p0 $0x100000, s1;
	[bflag:$0x2] =	sbarrier.arrive $0xFFFF  }
0x6b: {  	[sflag:s0] =	ssyncadd.tile.s32 @!p0 $0x1;
	_ =	shalt  }
.Lfunc_end2:
_tile_overlayer_lowered:
.L_overlay_start_2:
0x6c: {  	(tag) =	ssettag $0x2  }
0x6d: {  	s0 =	rddreg [dreg:$0x0];
	s2 =	stileid.u32  }
0x6e: {  	s1 =	rddreg [dreg:$0x1];
	p0 =	sne.s32 s2, $0x0  }
0x6f: {  	s3 =	rddreg [dreg:$0x2];
	[bflag:$0x3] =	sbarrier.arrive $0xFFFF;
	s2 =	simm.s32 @!p0 $0x1C02  }
0x70: {  	[timem:s3], [sflag:s2] =	dma.local @!p0 [hbm:s0], s1  }
0x71: {  	s0 =	simm.s32 @!p0 $0x2  }
0x72: {  	_ =	swait.ge @!p0 [sflag:s0], s1  }
0x73: {  	s1 =	ssub.s32 @!p0 $0x0, s1;
	[sflag:s0] =	ssyncset.done @!p0 $0x0  }
0x74: {  	[sflag:s0] =	ssyncadd.s32 @!p0 s1  }
0x75: {  	[bflag:$0x3] =	sbarrier.arrive $0xFFFF  }
0x76: {  	_ =	shalt  }

// kernel: kernel.8.cloned.1.call-start
scs
__scs_entry_jumppad:
0x0: {  	(pc) =	sbr.rel $0x88, $3  }
0x1: {  	(tag) =	ssettag $0x0;
	lr =	simm.s32 $0x1  }
0x2: {  	[smem:$0x3F9B] =	sst lr;
	_ =	strace $0xD0000000  }
0x3: {  	_ = 	snop  }
0x4: {  	_ = 	snop  }
0x5: {  	_ = 	snop  }
0x6: {  	_ = 	snop  }
0x7: {  	_ = 	snop  }
__scs_overlays_trampoline_lowered:
0x8: {  	[smem:$0x3FAA] =	sst s0  }
0x9: {  	[smem:$0x3FAB] =	sst s1  }
0xa: {  	[smem:$0x3FAC] =	sst s2  }
0xb: {  	[smem:$0x3FAD] =	sst s3  }
0xc: {  	[smem:$0x3FAE] =	sst s4  }
0xd: {  	[smem:$0x3FAF] =	sst s5  }
0xe: {  	[smem:$0x3FB0] =	sst s6  }
0xf: {  	[smem:$0x3FB1] =	sst s7  }
0x10: {  	[smem:$0x3FB2] =	sst s8  }
0x11: {  	[smem:$0x3FB3] =	sst s9;
	s0 =	simm.s32 @!p0 $0x0  }
0x12: {  	s1 =	sld [smem:$0x3F99];
	s0 =	simm.s32 @p0 $0x1  }
0x13: {  	[smem:$0x3FB4] =	sst s0;
	s0 =	simm.s32 @!p1 $0x0  }
0x14: {  	s2 =	sld [smem:$0x3F98];
	s0 =	simm.s32 @p1 $0x1  }
0x15: {  	[smem:$0x3FB5] =	sst s0;
	s0 =	simm.s32 @!p2 $0x0  }
0x16: {  	s3 =	sld [smem:$0x3FDB];
	s0 =	simm.s32 @p2 $0x1  }
0x17: {  	s4 =	simm.s32 $0x1BF5;
	[smem:$0x3FB7] =	sst s0  }
0x18: {  	s0 =	sld [smem:$0x3F9A];
	_ =	swait.ge [sflag:s4], $0x0  }
0x19: {  	s7 =	sld [smem:$0x3F9B]  }
0x1a: {  	s8 =	sadd.s32 $0xFFFFE003, lr  }
0x1b: {  	s9 =	sadd.s32 $0xFFFFFEF7, lr;
	s5 =	simm.s32 $0xFFFFFFFF;
	p2 =	slt.u32 s8, $0xFFFFF086  }
0x1c: {  	p1 =	slt.u32 s9, $0xF7A;
	s5 =	simm.s32 @!p2 $0x0  }
0x1d: {  	s5 =	simm.s32 @p1 $0x1;
	p0 =	seq.s32 s7, s2  }
0x1e: {  	s7 =	smul.u32 @!p0 $0xF7A, s2;
	p2 =	seq.s32 @!p0 s5, $0x0  }
0x1f: {  	s9 =	smul.u32 $0xF7A, s1;
	s8 =	simm.s32 @!p0 $0x1BF5;
	p2 =	por !p2, p0  }
0x20: {  	[sflag:s8] =	ssyncset.s32 @!p0 $0xFFFFF086;
	s6 =	sadd.s32 @!p0 s3, s7;
	s7 =	simm.s32 @!p0 $0x108  }
0x21: {  	s3 =	sadd.s32 s3, s9;
	s6 =	sadd.s32 @!p0 $0x88, s6;
	s7 =	simm.s32 @p2 $0x1082  }
0x22: {  	[simem:s7], [sflag:s8] =	dma.local @!p0 [hbm:s6], $0xF7A  }
0x23: {  	s9 =	sor.u32 $0xD0000000, s2;
	s6 =	simm.s32 $0x108;
	_ =	swait.ge @!p0 [sflag:s8], $0x0  }
0x24: {  	s3 =	sadd.s32 $0x88, s3;
	s6 =	simm.s32 @!p1 $0x1082;
	[sflag:s4] =	ssyncset.s32 $0xFFFFF086  }
0x25: {  	[simem:s6], [sflag:s4] =	dma.local [hbm:s3], $0xF7A  }
0x26: {  	[smem:$0x3F9B] =	sst s1;
	(tag) =	ssettag s2;
	_ =	strace s9  }
0x27: {  	s1 =	sld [smem:$0x3FAB]  }
0x28: {  	s2 =	sld [smem:$0x3FAC]  }
0x29: {  	s4 =	sld [smem:$0x3FAE]  }
0x2a: {  	p0 =	seq.s32 s5, $0x0;
	s5 =	sld [smem:$0x3FAF]  }
0x2b: {  	s6 =	sld [smem:$0x3FB0]  }
0x2c: {  	s7 =	sld [smem:$0x3FB1]  }
0x2d: {  	s3 =	simm.s32 $0x108;
	s8 =	sld [smem:$0x3FB2]  }
0x2e: {  	s3 =	simm.s32 @!p0 $0x1082;
	s9 =	sld [smem:$0x3FB3]  }
0x2f: {  	lr =	sadd.s32 s0, s3;
	s0 =	sld [smem:$0x3FAA]  }
0x30: {  	s3 =	sld [smem:$0x3FAD]  }
0x31: {  	[smem:$0x3FB6] =	sst s10  }
0x32: {  	s10 =	sld [smem:$0x3FB4];
	_ =	sdelay $0x3  }
0x33: {  	p0 =	seq.s32 s10, $0x1;
	s10 =	sld [smem:$0x3FB6];
	_ =	sdelay $0x3  }
0x34: {  	[smem:$0x3FB6] =	sst s10  }
0x35: {  	s10 =	sld [smem:$0x3FB5];
	_ =	sdelay $0x3  }
0x36: {  	p1 =	seq.s32 s10, $0x1;
	s10 =	sld [smem:$0x3FB6];
	_ =	sdelay $0x3  }
0x37: {  	[smem:$0x3FB6] =	sst s10  }
0x38: {  	s10 =	sld [smem:$0x3FB7]  }
0x39: {  	_ = 	snop;
	(pc) =	sbr.ind lr, $3  }
0x3a: {  	_ = 	snop  }
0x3b: {  	_ = 	snop  }
0x3c: {  	p2 =	seq.s32 s10, $0x1;
	s10 =	sld [smem:$0x3FB6]  }
0x3d: {  	_ =	shalt  }
0x3e: {  	_ =	shalt  }
0x3f: {  	_ =	shalt  }
0x40: {  	_ =	shalt  }
0x41: {  	_ =	shalt  }
0x42: {  	_ =	shalt  }
0x43: {  	_ =	shalt  }
0x44: {  	_ =	shalt  }
0x45: {  	_ =	shalt  }
0x46: {  	_ =	shalt  }
0x47: {  	_ =	shalt  }
0x48: {  	_ =	shalt  }
0x49: {  	_ =	shalt  }
0x4a: {  	_ =	shalt  }
0x4b: {  	_ =	shalt  }
0x4c: {  	_ =	shalt  }
0x4d: {  	_ =	shalt  }
0x4e: {  	_ =	shalt  }
0x4f: {  	_ =	shalt  }
0x50: {  	_ =	shalt  }
0x51: {  	_ =	shalt  }
0x52: {  	_ =	shalt  }
0x53: {  	_ =	shalt  }
0x54: {  	_ =	shalt  }
0x55: {  	_ =	shalt  }
0x56: {  	_ =	shalt  }
0x57: {  	_ =	shalt  }
0x58: {  	_ =	shalt  }
0x59: {  	_ =	shalt  }
0x5a: {  	_ =	shalt  }
0x5b: {  	_ =	shalt  }
0x5c: {  	_ =	shalt  }
0x5d: {  	_ =	shalt  }
0x5e: {  	_ =	shalt  }
0x5f: {  	_ =	shalt  }
0x60: {  	_ =	shalt  }
0x61: {  	_ =	shalt  }
0x62: {  	_ =	shalt  }
0x63: {  	_ =	shalt  }
0x64: {  	_ =	shalt  }
0x65: {  	_ =	shalt  }
0x66: {  	_ =	shalt  }
0x67: {  	_ =	shalt  }
0x68: {  	_ =	shalt  }
0x69: {  	_ =	shalt  }
0x6a: {  	_ =	shalt  }
0x6b: {  	_ =	shalt  }
0x6c: {  	_ =	shalt  }
0x6d: {  	_ =	shalt  }
0x6e: {  	_ =	shalt  }
0x6f: {  	_ =	shalt  }
0x70: {  	_ =	shalt  }
0x71: {  	_ =	shalt  }
0x72: {  	_ =	shalt  }
0x73: {  	_ =	shalt  }
0x74: {  	_ =	shalt  }
0x75: {  	_ =	shalt  }
0x76: {  	_ =	shalt  }
0x77: {  	_ =	shalt  }
0x78: {  	_ =	shalt  }
0x79: {  	_ =	shalt  }
0x7a: {  	_ =	shalt  }
0x7b: {  	_ =	shalt  }
0x7c: {  	_ =	shalt  }
0x7d: {  	_ =	shalt  }
0x7e: {  	_ =	shalt  }
0x7f: {  	_ =	shalt  }
0x80: {  	_ =	shalt  }
0x81: {  	_ =	shalt  }
0x82: {  	_ =	shalt  }
0x83: {  	_ =	shalt  }
0x84: {  	_ =	shalt  }
0x85: {  	_ =	shalt  }
0x86: {  	_ =	shalt  }
0x87: {  	_ =	shalt  }
.Lfunc_end0:
.L_simem_size_0:
called_computation_lowered:
.L_overlay_start_0:
0x88: {  	s2 =	sld [smem:$0x3FD9]  }
0x89: {  	s3 =	sld [smem:$0x3FFE];
	_ =	sdelay $0x1  }
0x8a: {  	s1 =	srdreg.scid  }
0x8b: {  	s0 =	sand.u32 $0x1, s1  }
0x8c: {  	s16 =	sshll.u32 s0, $0xA;
	s2 =	sadd.s32 s3, s2  }
0x8d: {  	s2 =	sadd.s32 s2, s16  }
0x8e: {  	[smem:$0x3FC2] =	sst s2  }
0x8f: {  	_ = 	snop  }
0x90: {  	(tm) =	ssettm $0x1  }
0x91: {  	s17 =	sld [smem:$0x3FFB];
	_ =	sdelay $0x3  }
0x92: {  	_ =	strace s17  }
0x93: {  	s2 =	sld [smem:$0x3FFC];
	_ =	sdelay $0x3  }
0x94: {  	_ =	strace s2  }
0x95: {  	s2 =	sld [smem:$0x3FFD];
	_ =	sdelay $0x3  }
0x96: {  	_ =	strace s2  }
0x97: {  	_ =	strace $0x8FFFFFFF  }
0x98: {  	s18 =	sld [smem:$0x3FDB];
	_ =	sdelay $0x1  }
0x99: {  	s19 =	simm.s32 $_scs_section_size  }
0x9a: {  	s4 =	simm.s32 $_size__tile_overlayer_lowered;
	s5 =	simm.s32 $_tile_overlayer_lowered  }
0x9b: {  	s22 =	simm.s32 $0x1BFF;
	s21 =	sshll.u32 s5, $0x1;
	s2 =	sadd.s32 s19, s18  }
0x9c: {  	s6 =	simm.s32 $0x0;
	s20 =	sshll.u32 s4, $0x1;
	s4 =	sadd.s32 s21, s2  }
0x9d: {  	[timem:s6], [sflag:s22] =	dma.local [hbm:s4], s20  }
0x9e: {  	_ =	swait.ge [sflag:s22], s20  }
0x9f: {  	s3 =	ssub.s32 $0x0, s20;
	[sflag:s22] =	ssyncset.done $0x0  }
0xa0: {  	[sflag:s22] =	ssyncadd.s32 s3;
	_ =	sdelay $0x1  }
0xa1: {  	s23 =	simm.s32 $0x1B8B  }
0xa2: {  	_ =	swait.ge [sflag:s23], $0x1  }
0xa3: {  	[sflag:s23] =	ssyncset.done $0x0  }
0xa4: {  	s25 =	simm.s32 $0x1B8E;
	s24 =	sld [smem:$0x3FFE];
	[sflag:s23] =	ssyncadd.s32 $0xFFFFFFFF  }
0xa5: {  	s26 =	simm.s32 $execute0_lowered;
	[smem:$0x3FD2] =	sst s25  }
0xa6: {  	s4 =	sshll.u32 s26, $0x1;
	_ =	strace $0x80000046;
	[dreg:$0x1] =	wrdreg $0xFFFFFFFF  }
0xa7: {  	s28 =	simm.s32 $_size_execute0_lowered;
	s2 =	sadd.s32 s2, s4;
	[dreg:$0x0] =	wrdreg $0x0  }
0xa8: {  	s4 =	sshll.u32 s28, $0x1;
	[dreg:$0x2] =	wrdreg s2  }
0xa9: {  	[dreg:$0x3] =	wrdreg s4  }
0xaa: {  	[dreg:$0x4] =	wrdreg $0xC0  }
0xab: {  	_ =	task [dreg:s6], $0x5FFFF  }
0xac: {  	[dreg:$0x1] =	wrdreg $0xFFFFFFFF  }
0xad: {  	[dreg:$0x0] =	wrdreg $0x60  }
0xae: {  	[dreg:$0x2] =	wrdreg s24  }
0xaf: {  	[dreg:$0x3] =	wrdreg $0x0  }
0xb0: {  	[dreg:$0x4] =	wrdreg $0x9  }
0xb1: {  	_ =	task.clear_ibuf [dreg:s6], $0x5FFFF;
	_ =	strace $0x90000046  }
0xb2: {  	s29 =	simm.s32 $0x9;
	_ =	strace $0x80000048  }
0xb3: {  	_ =	swait.ge [sflag:s29], $0x1  }
0xb4: {  	[sflag:s29] =	ssyncadd.s32 $0xFFFFFFFF  }
0xb5: {  	_ =	strace $0x90000048  }
0xb6: {  	_ =	sfence  }
0xb7: {  	s30 =	sld [smem:$0x0];
	_ =	sdelay $0x2  }
0xb8: {  	s31 =	sshll.u32 s1, $0xD;
	s1 =	sshrl.u32 s1, $0x2  }
0xb9: {  	s3 =	sand.u32 $0x4000, s31;
	s1 =	sadd.s32 s1, s30  }
0xba: {  	s0 =	sor.u32 s3, s0;
	s1 =	sshll.u32 s1, $0x11  }
0xbb: {  	s0 =	sor.u32 s1, s0  }
0xbc: {  	s0 =	sadd.s32 $0x8F2B, s0  }
0xbd: {  	[sflag:s0] =	ssyncadd.remote.s32 $0x1  }
0xbe: {  	_ =	sfence.sel $0xFFFF  }
0xbf: {  	[dreg:$0x0] =	wrdreg $0xFFFFFFFF;
	(pc) =	sbr.abs _section_cstart, $3  }
0xc0: {  	[dreg:$0x1] =	wrdreg $0xFFFFFFFF  }
0xc1: {  	_ =	task.clear_ibuf [dreg:s6], $0x2FFFF;
	_ =	strace $0x9FFFFFFF  }
0xc2: {  	(tm) =	ssettm $0x7FFFFFFF  }
0xc3: {  	_ =	shalt  }
tec
execute0_lowered:
.L_overlay_start_1:
0x0: {  	(tag) =	ssettag $0x1  }
0x1: {  	s4 =	rddreg [dreg:$0x0]  }
0x2: {  	s0 =	srdreg.scid;
	s2 =	rddreg [dreg:$0x1]  }
0x3: {  	s1 =	rddreg [dreg:$0x2];
	s5 =	sand.u32 $0x1, s0  }
0x4: {  	s3 =	simm.s32 $0x0;
	s0 =	stileid.u32;
	s6 =	smul.u32 $0x27100, s5  }
0x5: {  	s10 =	simm.s32 $0x280;
	s11 =	simm.s32 $0x50;
	s7 =	smul.u32 $0x2710, s0  }
0x6: {  	s12 =	simm.s32 $0x2D0;
	s15 =	simm.s32 $0x0;
	s8 =	smul.u32 $0x280, s0  }
0x7: {  	[smem:$0x7FF] =	sst s3;
	s9 =	smul.u32 $0x2800, s5;
	s5 =	ssub.s32 $0x2, s5  }
0x8: {  	_ =	strace $0x80000047;
	s13 =	sshll.u32 s0, $0x6;
	s31 =	sshrl.u32 s5, $0x1  }
0x9: {  	s13 =	sor.u32 $0x1C01, s13;
	s6 =	sadd.s32 s7, s6;
	s28 =	sadd.s32 s8, s9  }
0xa: {  	s7 =	ssub.s32 s5, s31;
	s6 =	sshrl.u32 s6, $0x3;
	s30 =	sshrl.u32 s28, $0x3  }
0xb: {  	s9 =	simm.s32 $0x1;
	s29 =	sadd.s32 s6, s4;
	s6 =	sadd.s32 s30, s4  }
0xc: {  	s4 =	sadd.s32 s8, s2;
	s8 =	simm.s32 $0x320;
	s5 =	sadd.s32 $0x14E00, s6  }
0xd: {  	v0 =	vimm.f32 $0.0e+00;
	v1 =	vimm.f32 $1.000000000e+00;
	s6 =	smax.u32 s7, $0x1;
	s7 =	sadd.s32 $0xB000, s29;
	s14 =	sshrl.u32 s4, $0x3  }
.LBB2_1:
0xe: {  	s16 =	smul.u32 $0xCD, s3;
	_ =	sdelay $0x1  }
0xf: {  	s16 =	sshrl.u32 s16, $0xA  }
0x10: {  	s17 =	sand.u32 $0x3F, s16  }
0x11: {  	s16 =	simm.s32 $0x1;
	s17 =	smul.u32 $0x5, s17  }
0x12: {  	s18 =	smul.u32 $0xCD, s16  }
0x13: {  	s17 =	ssub.s32 $0x0, s17  }
0x14: {  	s18 =	sshrl.u32 s18, $0xA;
	s17 =	sand.u32 $0xFF, s17  }
0x15: {  	[tilespmem:s8+$0x0] =	vst v0;
	s19 =	sand.u32 $0x3F, s18;
	s17 =	sshll.u32 s17, $0x4  }
0x16: {  	s18 =	simm.s32 $0x2;
	s19 =	smul.u32 $0x5, s19;
	[tilespmem:s17+$0x2D0] =	vst v1;
	s17 =	simm.s32 $0x320  }
.LBB2_2:
0x17: {  	s20 =	smul.u32 $0xCD, s18;
	s21 =	smov.u32 s18;
	p0 =	sne.s32 s18, $0x27  }
.Ltmp0:
0x18: {  	s18 =	sadd.s32 $0x1, s18;
	s16 =	ssub.s32 s16, s19;
	(pc) =	sbr.rel @p0 .LBB2_2-.Ltmp0, $4  }
0x19: {  	s17 =	sadd.s32 $0x10, s17;
	s19 =	sand.u32 $0xFF, s16;
	s16 =	smov.u32 s21  }
0x1a: {  	s20 =	sshrl.u32 s20, $0xA;
	[tilespmem:s17+$0x0] =	vst v0;
	s19 =	sshll.u32 s19, $0x4  }
0x1b: {  	s20 =	sand.u32 $0x3F, s20;
	[tilespmem:s19+$0x2D0] =	vst v1  }
0x1c: {  	s19 =	smul.u32 $0x5, s20  }
0x1d: {  	_ = 	snop  }
0x1e: {  	s16 =	ssub.s32 s16, s19  }
0x1f: {  	s17 =	sadd.s32 $0x10, s17;
	s16 =	sand.u32 $0xFF, s16  }
0x20: {  	[tilespmem:s17+$0x0] =	vst v0;
	s16 =	sshll.u32 s16, $0x4  }
0x21: {  	[tilespmem:s16+$0x2D0] =	vst v1  }
0x22: {  	[spmem:s4] =	stream.linear.scatter [tilespmem:s8], [sflag:$0x1], $0x280, $0x38;
	[tilespmem:$0x5A0] =	vst v63  }
0x23: {  	_ =	swait.ge [sflag:s9], $0x280  }
0x24: {  	[sflag:s9] =	ssyncset.done $0x0  }
0x25: {  	[sflag:s9] =	ssyncadd.s32 $0xFFFFFD80  }
0x26: {  	s31 =	sadd.s32 $0x0, s7;
	[bflag:$0x0] =	sbarrier.arrive $0xFFFF  }
0x27: {  	[tilespmem:s10], [sflag:$0x1] =	stream.linear.gather [hbm4b:s31+s3], $0x50, $0x38;
	[tilespmem:$0x5A0] =	vst v63  }
0x28: {  	_ =	swait.ge [sflag:s9], $0x50  }
0x29: {  	[sflag:s9] =	ssyncset.done $0x0  }
0x2a: {  	[sflag:s9] =	ssyncadd.s32 $0xFFFFFFB0  }
0x2b: {  	[spmem:s2] =	stream.indirect.scatter.add.f32 [tilespmem:s12], [sflag:$0x1], $0x1, s10, s11, $0xb8;
	[tilespmem:$0x5A0] =	vst v63  }
0x2c: {  	_ =	swait.ge [sflag:s9], $0x50  }
0x2d: {  	s17 =	simm.s32 $0x14;
	s16 =	simm.s32 $0xA;
	[sflag:s9] =	ssyncset.done $0x0  }
.LBB2_4:
0x2e: {  	s18 =	sadd.s32 s16, s7  }
0x2f: {  	[sflag:s9] =	ssyncadd.s32 $0xFFFFFFB0;
	s16 =	smov.u32 s17;
	s19 =	sadd.s32 $0xA, s17  }
0x30: {  	[tilespmem:s10], [sflag:$0x1] =	stream.linear.gather [hbm4b:s18+s3], $0x50, $0x38;
	[tilespmem:$0x5A0] =	vst v63  }
0x31: {  	p0 =	sne.s32 s17, $0x4D8;
	_ =	swait.ge [sflag:s9], $0x50  }
.Ltmp1:
0x32: {  	[sflag:s9] =	ssyncset.done $0x0;
	(pc) =	sbr.rel @p0 .LBB2_4-.Ltmp1, $4  }
0x33: {  	[sflag:s9] =	ssyncadd.s32 $0xFFFFFFB0  }
0x34: {  	[spmem:s2] =	stream.indirect.scatter.add.f32 [tilespmem:s12], [sflag:$0x1], $0x1, s10, s11, $0xb8;
	[tilespmem:$0x5A0] =	vst v63  }
0x35: {  	_ =	swait.ge [sflag:s9], $0x50  }
0x36: {  	s17 =	smov.u32 s19;
	[sflag:s9] =	ssyncset.done $0x0  }
0x37: {  	s16 =	sadd.s32 s16, s7;
	[sflag:s9] =	ssyncadd.s32 $0xFFFFFFB0  }
0x38: {  	[tilespmem:s10], [sflag:$0x1] =	stream.linear.gather [hbm4b:s16+s3], $0x50, $0x38;
	[tilespmem:$0x5A0] =	vst v63  }
0x39: {  	_ =	swait.ge [sflag:s9], $0x50  }
0x3a: {  	[sflag:s9] =	ssyncset.done $0x0  }
0x3b: {  	[sflag:s9] =	ssyncadd.s32 $0xFFFFFFB0  }
0x3c: {  	[spmem:s2] =	stream.indirect.scatter.add.f32 [tilespmem:s12], [sflag:$0x1], $0x1, s10, s11, $0xb8;
	[tilespmem:$0x5A0] =	vst v63  }
0x3d: {  	_ =	swait.ge [sflag:s9], $0x50  }
0x3e: {  	s15 =	sadd.s32 $0x1, s15;
	[sflag:s9] =	ssyncset.done $0x0  }
0x3f: {  	p0 =	sne.s32 s15, s6;
	[sflag:s9] =	ssyncadd.s32 $0xFFFFFFB0  }
.Ltmp2:
0x40: {  	[bflag:$0x0] =	sbarrier.arrive $0xFFFF;
	(pc) =	sbr.rel @p0 .LBB2_1-.Ltmp2, $4  }
0x41: {  	[hbm:s5], [sflag:s13] =	dma.local [spmem:s14], $0x50  }
0x42: {  	_ =	swait.ge [sflag:s9], $0x50  }
0x43: {  	[sflag:s9] =	ssyncset.done $0x0  }
0x44: {  	[sflag:s9] =	ssyncadd.s32 $0xFFFFFFB0  }
0x45: {  	_ =	sfence.sel $0x180000  }
0x46: {  	[bflag:$0x0] =	sbarrier.arrive $0xFFFF  }
0x47: {  	p0 =	sne.s32 s0, $0x0;
	_ =	strace $0x90000047  }
0x48: {  	s0 =	sadd.s32 @!p0 $0x100000, s1;
	[bflag:$0x2] =	sbarrier.arrive $0xFFFF  }
0x49: {  	[sflag:s0] =	ssyncadd.tile.s32 @!p0 $0x1;
	_ =	shalt  }
.Lfunc_end2:
_tile_overlayer_lowered:
.L_overlay_start_2:
0x4a: {  	(tag) =	ssettag $0x2  }
0x4b: {  	s0 =	rddreg [dreg:$0x0];
	s2 =	stileid.u32  }
0x4c: {  	s1 =	rddreg [dreg:$0x1];
	p0 =	sne.s32 s2, $0x0  }
0x4d: {  	s3 =	rddreg [dreg:$0x2];
	[bflag:$0x3] =	sbarrier.arrive $0xFFFF;
	s2 =	simm.s32 @!p0 $0x1C01  }
0x4e: {  	[timem:s3], [sflag:s2] =	dma.local @!p0 [hbm:s0], s1  }
0x4f: {  	s0 =	simm.s32 @!p0 $0x1  }
0x50: {  	_ =	swait.ge @!p0 [sflag:s0], s1  }
0x51: {  	s1 =	ssub.s32 @!p0 $0x0, s1;
	[sflag:s0] =	ssyncset.done @!p0 $0x0  }
0x52: {  	[sflag:s0] =	ssyncadd.s32 @!p0 s1  }
0x53: {  	[bflag:$0x3] =	sbarrier.arrive $0xFFFF  }
0x54: {  	_ =	shalt  }

</sc_bundles>
